<compile_context>
chip_gen: v7x
topology: tpu7x:2x2x1
jax: 0.10.2.dev20260603
libtpu: 0.0.44.dev20260713+nightly
codegen_flags: <defaults>
</compile_context>

<pallas_src>
import functools

import jax
import jax.numpy as jnp
from jax import lax
from jax.experimental import pallas as pl
from jax.experimental.pallas import tpu as pltpu
from jax.experimental.pallas import tpu_sc as plsc

N_NODES = 10000
N_EDGES = 320000
IN_CH = 128
OUT_CH = 32
HEADS = 4
H2 = 2 * HEADS

NC = 2
NS = 16
NW = NC * NS
LANES = 16

C_EDGES = 2560
N_CHUNKS = N_EDGES // C_EDGES
CHUNKS_PER_W = -(-N_CHUNKS // NW)

ROW_BLOCK = N_NODES


def _alpha_body(x_ref, w_ref, b_ref, attl_ref, attr_ref, out_ref,
                a_ref, c_ref):
    @pl.when(pl.program_id(0) == 0)
    def _():
        row = lax.broadcasted_iota(jnp.int32, (H2, IN_CH), 0)
        k = lax.broadcasted_iota(jnp.int32, (H2, IN_CH), 1)
        attl = jnp.reshape(attl_ref[...], (1, IN_CH))
        attr = jnp.reshape(attr_ref[...], (1, IN_CH))
        seg_l = (row < HEADS) & (k >= row * OUT_CH) & (k < (row + 1) * OUT_CH)
        rr = row - HEADS
        seg_r = (row >= HEADS) & (k >= rr * OUT_CH) & (k < (rr + 1) * OUT_CH)
        st = (jnp.where(seg_l, jnp.broadcast_to(attl, (H2, IN_CH)), 0.0)
              + jnp.where(seg_r, jnp.broadcast_to(attr, (H2, IN_CH)), 0.0))
        a_ref[...] = lax.dot_general(w_ref[...], st, (((0,), (1,)), ((), ())),
                                     preferred_element_type=jnp.float32,
                                     precision=lax.Precision.HIGHEST)
        c_ref[...] = lax.dot_general(st, b_ref[...], (((1,), (1,)), ((), ())),
                                     preferred_element_type=jnp.float32,
                                     precision=lax.Precision.HIGHEST)
    out_ref[...] = lax.dot_general(a_ref[...], x_ref[...],
                                   (((0,), (1,)), ((), ())),
                                   preferred_element_type=jnp.float32
                                   ) + c_ref[...]


_alpha_call = pl.pallas_call(
    _alpha_body,
    grid=(N_NODES // ROW_BLOCK,),
    in_specs=[
        pl.BlockSpec((ROW_BLOCK, IN_CH), lambda i: (i, 0)),
        pl.BlockSpec((IN_CH, IN_CH), lambda i: (0, 0)),
        pl.BlockSpec((1, IN_CH), lambda i: (0, 0)),
        pl.BlockSpec((1, HEADS, OUT_CH), lambda i: (0, 0, 0)),
        pl.BlockSpec((1, HEADS, OUT_CH), lambda i: (0, 0, 0)),
    ],
    out_specs=pl.BlockSpec((H2, ROW_BLOCK), lambda i: (0, i)),
    out_shape=jax.ShapeDtypeStruct((H2, N_NODES), jnp.float32),
    scratch_shapes=[
        pltpu.VMEM((IN_CH, H2), jnp.float32),
        pltpu.VMEM((H2, 1), jnp.float32),
    ],
)


def _edge_body(tab_hbm, ei_hbm, out_hbm, tab_v, ei_v, out_v,
               tab_sem, ei_sem0, ei_sem1, out_sem0, out_sem1):
    wid = lax.axis_index("s") * NC + lax.axis_index("c")
    ei_sems = (ei_sem0, ei_sem1)
    out_sems = (out_sem0, out_sem1)

    def ei_copies(b, cid):
        base_e = cid * C_EDGES
        eb = b * (2 * C_EDGES)
        return (
            pltpu.make_async_copy(ei_hbm.at[pl.ds(base_e, C_EDGES)],
                                  ei_v.at[pl.ds(eb, C_EDGES)], ei_sems[b]),
            pltpu.make_async_copy(ei_hbm.at[pl.ds(N_EDGES + base_e, C_EDGES)],
                                  ei_v.at[pl.ds(eb + C_EDGES, C_EDGES)],
                                  ei_sems[b]),
        )

    def out_copy(b, cid):
        return pltpu.make_async_copy(
            out_v.at[pl.ds(b * (C_EDGES * HEADS), C_EDGES * HEADS)],
            out_hbm.at[pl.ds(cid * C_EDGES * HEADS, C_EDGES * HEADS)],
            out_sems[b])

    tab_cp = pltpu.make_async_copy(tab_hbm, tab_v, tab_sem)
    tab_cp.start()
    for c in ei_copies(0, wid):
        c.start()

    for t in range(CHUNKS_PER_W):
        cid = t * NW + wid
        b = t % 2

        @pl.when(cid < N_CHUNKS)
        def _():
            for c in ei_copies(b, cid):
                c.wait()
            if t + 1 < CHUNKS_PER_W:
                ncid = (t + 1) * NW + wid

                @pl.when(ncid < N_CHUNKS)
                def _():
                    for c in ei_copies(1 - b, ncid):
                        c.start()
            if t == 0:
                tab_cp.wait()
            if t >= 2:
                out_copy(b, (t - 2) * NW + wid).wait()

            eb = b * (2 * C_EDGES)
            ob = b * (C_EDGES * HEADS)

            @plsc.parallel_loop(0, C_EDGES // LANES, unroll=2)
            def body(j):
                sv = ei_v[pl.ds(eb + j * LANES, LANES)]
                dv = ei_v[pl.ds(eb + C_EDGES + j * LANES, LANES)]
                obase = ob + (j // 8) * (HEADS * 128) + (j % 8) * LANES
                for hd in range(HEADS):
                    a = plsc.load_gather(tab_v, [sv + hd * N_NODES])
                    r = plsc.load_gather(tab_v, [dv + (HEADS + hd) * N_NODES])
                    v = a + r
                    res = jnp.where(v >= 0.0, v, v * jnp.float32(0.01))
                    out_v[pl.ds(obase + hd * 128, LANES)] = res

            out_copy(b, cid).start()

    for t in range(1, CHUNKS_PER_W):
        cid = t * NW + wid

        @pl.when((cid < N_CHUNKS) & (cid + 2 * NW >= N_CHUNKS))
        def _():
            out_copy(t % 2, cid).wait()


@functools.cache
def _edge_kernel():
    return pl.kernel(
        _edge_body,
        mesh=plsc.VectorSubcoreMesh(core_axis_name="c", subcore_axis_name="s",
                                    num_cores=NC, num_subcores=NS),
        compiler_params=pltpu.CompilerParams(needs_layout_passes=False),
        out_type=jax.ShapeDtypeStruct((N_EDGES * HEADS,), jnp.float32),
        scratch_types=[
            pltpu.VMEM((N_NODES * H2,), jnp.float32),
            pltpu.VMEM((2 * 2 * C_EDGES,), jnp.int32),
            pltpu.VMEM((2 * C_EDGES * HEADS,), jnp.float32),
            pltpu.SemaphoreType.DMA,
            pltpu.SemaphoreType.DMA,
            pltpu.SemaphoreType.DMA,
            pltpu.SemaphoreType.DMA,
            pltpu.SemaphoreType.DMA,
        ],
    )


def kernel(x, edge_index, W, b, att_l, att_r):
    eif = edge_index.astype(jnp.int32).reshape(-1)
    alpha = _alpha_call(x, W, b.reshape(1, IN_CH), att_l, att_r)
    out_flat = _edge_kernel()(alpha.reshape(-1), eif)
    return (out_flat.reshape(N_EDGES // 128, HEADS, 128)
            .transpose(0, 2, 1).reshape(N_EDGES, HEADS))

# --- scband reference (transcript-rebuilt; emitter-appended) ---
"""Pipeline reference for scband-gatconv-51084341018875 (READ-ONLY COPY).

The authoritative reference and input builder live on the scoring server;
editing this copy changes nothing except your own understanding.
"""

import jax, jax.numpy as jnp
import numpy as np

N_NODES = 10000
N_EDGES = 320000
IN_CH = 128
OUT_CH = 32
HEADS = 4


def setup_inputs(seed: int = 0) -> dict:
    key = jax.random.key(seed)
    k1, k2, k3, k4, k5 = jax.random.split(key, 5)
    x = jax.random.normal(k1, (N_NODES, IN_CH), dtype=jnp.float32)
    edge_index = jax.random.randint(k2, (2, N_EDGES), 0, N_NODES, dtype=jnp.int64)
    # nn.Linear(in_channels, out_channels*num_heads): weight [out, in], bias [out]
    W = jax.random.normal(k3, (OUT_CH * HEADS, IN_CH), dtype=jnp.float32) * (1.0 / np.sqrt(IN_CH))
    b = jnp.zeros((OUT_CH * HEADS,), dtype=jnp.float32)
    att_l = jax.random.normal(k4, (1, HEADS, OUT_CH), dtype=jnp.float32) * 0.05
    att_r = jax.random.normal(k5, (1, HEADS, OUT_CH), dtype=jnp.float32) * 0.05
    return {"x": x, "edge_index": edge_index, "W": W, "b": b, "att_l": att_l, "att_r": att_r}


def _leaky_relu(v, negative_slope=0.01):
    return jnp.where(v >= 0, v, negative_slope * v)


def reference(x, edge_index, W, b, att_l, att_r):
    # linear projection and reshape to [N, heads, out_channels]
    h = (x @ W.T + b).reshape(-1, HEADS, OUT_CH)
    alpha_l = (att_l * h).sum(axis=-1)  # [N, heads]
    alpha_r = (att_r * h).sum(axis=-1)  # [N, heads]
    # lift: gather per-edge (adj_t.storage.row()/col())
    src = edge_index[0]
    dst = edge_index[1]
    alpha_lifted = jnp.take(alpha_l, src, axis=0) + jnp.take(alpha_r, dst, axis=0)  # [E, heads]
    x_lifted = jnp.take(h, src, axis=0)  # [E, heads, out_channels] (computed, unused downstream)
    alpha_per_edge = _leaky_relu(alpha_lifted)
    return alpha_per_edge

if __name__ == "__main__":
    import jax
    _d = setup_inputs()
    print(jax.jit(kernel)(*tuple(_d.values())))

</pallas_src>

<mosaic_0001>
#map = affine_map<(d0, d1) -> (0)>
module attributes {stable_mosaic.version = 14 : i64} {
  func.func @_edge_body(%arg0: i32, %arg1: i32, %arg2: memref<80000xf32, #tpu.memory_space<hbm>>, %arg3: memref<640000xi32, #tpu.memory_space<hbm>>, %arg4: memref<1280000xf32, #tpu.memory_space<hbm>>, %arg5: memref<80000xf32, #tpu.memory_space<vmem>>, %arg6: memref<10240xi32, #tpu.memory_space<vmem>>, %arg7: memref<20480xf32, #tpu.memory_space<vmem>>, %arg8: memref<!tpu.dma_semaphore, #tpu.memory_space<semaphore_mem>>, %arg9: memref<!tpu.dma_semaphore, #tpu.memory_space<semaphore_mem>>, %arg10: memref<!tpu.dma_semaphore, #tpu.memory_space<semaphore_mem>>, %arg11: memref<!tpu.dma_semaphore, #tpu.memory_space<semaphore_mem>>, %arg12: memref<!tpu.dma_semaphore, #tpu.memory_space<semaphore_mem>>) attributes {dimension_semantics = [#tpu.dimension_semantics<core_parallel>, #tpu.dimension_semantics<subcore_parallel>], iteration_bounds = array<i64: 2, 16>, scalar_prefetch = 0 : i64, scratch_operands = 8 : i64, tpu.core_type = #tpu.core_type<sc_vector_subcore>, window_params = [{transform_indices = #map}, {transform_indices = #map}, {transform_indices = #map}]} {
    %mul3A = arith.constant 2 : i32
    %mul3A_0 = arith.muli %arg1, %mul3A : i32
    %add3A = arith.addi %mul3A_0, %arg0 : i32
    tpu.enqueue_dma source(%arg2 : memref<80000xf32, #tpu.memory_space<hbm>>) target(%arg5 : memref<80000xf32, #tpu.memory_space<vmem>>) target_semaphore(%arg8 : memref<!tpu.dma_semaphore, #tpu.memory_space<semaphore_mem>>)
    %mul3A_1 = arith.constant 2560 : i32
    %mul3A_2 = arith.muli %add3A, %mul3A_1 : i32
    %add3A_3 = arith.constant 320000 : i32
    %add3A_4 = arith.addi %add3A_3, %mul3A_2 : i32
    %dma_start3A = arith.constant 0 : i32
    %dma_start3A_5 = tpu.memref_slice %arg6[%dma_start3A] : memref<10240xi32, #tpu.memory_space<vmem>> -> memref<2560xi32, #tpu.memory_space<vmem>>
    %dma_start3A_6 = tpu.memref_slice %arg3[%mul3A_2] : memref<640000xi32, #tpu.memory_space<hbm>> -> memref<2560xi32, #tpu.memory_space<hbm>>
    %dma_start3A_7 = arith.constant 0 : i32
    %dma_start3A_8 = tpu.memref_slice %arg6[%dma_start3A_7] : memref<10240xi32, #tpu.memory_space<vmem>> -> memref<2560xi32, #tpu.memory_space<vmem>>
    %dma_start3A_9 = tpu.memref_slice %arg3[%mul3A_2] : memref<640000xi32, #tpu.memory_space<hbm>> -> memref<2560xi32, #tpu.memory_space<hbm>>
    tpu.enqueue_dma source(%dma_start3A_9 : memref<2560xi32, #tpu.memory_space<hbm>>) target(%dma_start3A_8 : memref<2560xi32, #tpu.memory_space<vmem>>) target_semaphore(%arg9 : memref<!tpu.dma_semaphore, #tpu.memory_space<semaphore_mem>>)
    %dma_start3A_10 = arith.constant 2560 : i32
    %dma_start3A_11 = tpu.memref_slice %arg6[%dma_start3A_10] : memref<10240xi32, #tpu.memory_space<vmem>> -> memref<2560xi32, #tpu.memory_space<vmem>>
    %dma_start3A_12 = tpu.memref_slice %arg3[%add3A_4] : memref<640000xi32, #tpu.memory_space<hbm>> -> memref<2560xi32, #tpu.memory_space<hbm>>
    %dma_start3A_13 = arith.constant 2560 : i32
    %dma_start3A_14 = tpu.memref_slice %arg6[%dma_start3A_13] : memref<10240xi32, #tpu.memory_space<vmem>> -> memref<2560xi32, #tpu.memory_space<vmem>>
    %dma_start3A_15 = tpu.memref_slice %arg3[%add3A_4] : memref<640000xi32, #tpu.memory_space<hbm>> -> memref<2560xi32, #tpu.memory_space<hbm>>
    tpu.enqueue_dma source(%dma_start3A_15 : memref<2560xi32, #tpu.memory_space<hbm>>) target(%dma_start3A_14 : memref<2560xi32, #tpu.memory_space<vmem>>) target_semaphore(%arg9 : memref<!tpu.dma_semaphore, #tpu.memory_space<semaphore_mem>>)
    %add3A_16 = arith.constant 0 : i32
    %add3A_17 = arith.addi %add3A_16, %add3A : i32
    %lt3A = arith.constant 125 : i32
    %lt3A_18 = arith.cmpi slt, %add3A_17, %lt3A : i32
    %convert_element_type3A = arith.extui %lt3A_18 : i1 to i32
    %cond3A = arith.constant 0 : i32
    %cond3A_19 = arith.cmpi ne, %convert_element_type3A, %cond3A : i32
    scf.if %cond3A_19 {
      %mul3A_75 = arith.constant 2560 : i32
      %mul3A_76 = arith.muli %add3A_17, %mul3A_75 : i32
      %add3A_77 = arith.constant 320000 : i32
      %add3A_78 = arith.addi %add3A_77, %mul3A_76 : i32
      %dma_wait3A = arith.constant 0 : i32
      %dma_wait3A_79 = tpu.memref_slice %arg6[%dma_wait3A] : memref<10240xi32, #tpu.memory_space<vmem>> -> memref<2560xi32, #tpu.memory_space<vmem>>
      %dma_wait3A_80 = tpu.memref_slice %arg3[%mul3A_76] : memref<640000xi32, #tpu.memory_space<hbm>> -> memref<2560xi32, #tpu.memory_space<hbm>>
      %dma_wait3A_81 = arith.constant 0 : i32
      %dma_wait3A_82 = tpu.memref_slice %arg6[%dma_wait3A_81] : memref<10240xi32, #tpu.memory_space<vmem>> -> memref<2560xi32, #tpu.memory_space<vmem>>
      %dma_wait3A_83 = tpu.memref_slice %arg3[%mul3A_76] : memref<640000xi32, #tpu.memory_space<hbm>> -> memref<2560xi32, #tpu.memory_space<hbm>>
      tpu.wait_dma2 semaphore(%arg9 : memref<!tpu.dma_semaphore, #tpu.memory_space<semaphore_mem>>) src(%dma_wait3A_83 : memref<2560xi32, #tpu.memory_space<hbm>>) dst(%dma_wait3A_82 : memref<2560xi32, #tpu.memory_space<vmem>>)
      %dma_wait3A_84 = arith.constant 2560 : i32
      %dma_wait3A_85 = tpu.memref_slice %arg6[%dma_wait3A_84] : memref<10240xi32, #tpu.memory_space<vmem>> -> memref<2560xi32, #tpu.memory_space<vmem>>
      %dma_wait3A_86 = tpu.memref_slice %arg3[%add3A_78] : memref<640000xi32, #tpu.memory_space<hbm>> -> memref<2560xi32, #tpu.memory_space<hbm>>
      %dma_wait3A_87 = arith.constant 2560 : i32
      %dma_wait3A_88 = tpu.memref_slice %arg6[%dma_wait3A_87] : memref<10240xi32, #tpu.memory_space<vmem>> -> memref<2560xi32, #tpu.memory_space<vmem>>
      %dma_wait3A_89 = tpu.memref_slice %arg3[%add3A_78] : memref<640000xi32, #tpu.memory_space<hbm>> -> memref<2560xi32, #tpu.memory_space<hbm>>
      tpu.wait_dma2 semaphore(%arg9 : memref<!tpu.dma_semaphore, #tpu.memory_space<semaphore_mem>>) src(%dma_wait3A_89 : memref<2560xi32, #tpu.memory_space<hbm>>) dst(%dma_wait3A_88 : memref<2560xi32, #tpu.memory_space<vmem>>)
      %add3A_90 = arith.constant 32 : i32
      %add3A_91 = arith.addi %add3A_90, %add3A : i32
      %lt3A_92 = arith.constant 125 : i32
      %lt3A_93 = arith.cmpi slt, %add3A_91, %lt3A_92 : i32
      %convert_element_type3A_94 = arith.extui %lt3A_93 : i1 to i32
      %cond3A_95 = arith.constant 0 : i32
      %cond3A_96 = arith.cmpi ne, %convert_element_type3A_94, %cond3A_95 : i32
      scf.if %cond3A_96 {
        %mul3A_109 = arith.constant 2560 : i32
        %mul3A_110 = arith.muli %add3A_91, %mul3A_109 : i32
        %add3A_111 = arith.constant 320000 : i32
        %add3A_112 = arith.addi %add3A_111, %mul3A_110 : i32
        %dma_start3A_113 = arith.constant 5120 : i32
        %dma_start3A_114 = tpu.memref_slice %arg6[%dma_start3A_113] : memref<10240xi32, #tpu.memory_space<vmem>> -> memref<2560xi32, #tpu.memory_space<vmem>>
        %dma_start3A_115 = tpu.memref_slice %arg3[%mul3A_110] : memref<640000xi32, #tpu.memory_space<hbm>> -> memref<2560xi32, #tpu.memory_space<hbm>>
        %dma_start3A_116 = arith.constant 5120 : i32
        %dma_start3A_117 = tpu.memref_slice %arg6[%dma_start3A_116] : memref<10240xi32, #tpu.memory_space<vmem>> -> memref<2560xi32, #tpu.memory_space<vmem>>
        %dma_start3A_118 = tpu.memref_slice %arg3[%mul3A_110] : memref<640000xi32, #tpu.memory_space<hbm>> -> memref<2560xi32, #tpu.memory_space<hbm>>
        tpu.enqueue_dma source(%dma_start3A_118 : memref<2560xi32, #tpu.memory_space<hbm>>) target(%dma_start3A_117 : memref<2560xi32, #tpu.memory_space<vmem>>) target_semaphore(%arg10 : memref<!tpu.dma_semaphore, #tpu.memory_space<semaphore_mem>>)
        %dma_start3A_119 = arith.constant 7680 : i32
        %dma_start3A_120 = tpu.memref_slice %arg6[%dma_start3A_119] : memref<10240xi32, #tpu.memory_space<vmem>> -> memref<2560xi32, #tpu.memory_space<vmem>>
        %dma_start3A_121 = tpu.memref_slice %arg3[%add3A_112] : memref<640000xi32, #tpu.memory_space<hbm>> -> memref<2560xi32, #tpu.memory_space<hbm>>
        %dma_start3A_122 = arith.constant 7680 : i32
        %dma_start3A_123 = tpu.memref_slice %arg6[%dma_start3A_122] : memref<10240xi32, #tpu.memory_space<vmem>> -> memref<2560xi32, #tpu.memory_space<vmem>>
        %dma_start3A_124 = tpu.memref_slice %arg3[%add3A_112] : memref<640000xi32, #tpu.memory_space<hbm>> -> memref<2560xi32, #tpu.memory_space<hbm>>
        tpu.enqueue_dma source(%dma_start3A_124 : memref<2560xi32, #tpu.memory_space<hbm>>) target(%dma_start3A_123 : memref<2560xi32, #tpu.memory_space<vmem>>) target_semaphore(%arg10 : memref<!tpu.dma_semaphore, #tpu.memory_space<semaphore_mem>>)
      } else {
      }
      tpu.wait_dma2 semaphore(%arg8 : memref<!tpu.dma_semaphore, #tpu.memory_space<semaphore_mem>>) src(%arg2 : memref<80000xf32, #tpu.memory_space<hbm>>) dst(%arg5 : memref<80000xf32, #tpu.memory_space<vmem>>)
      %parallel_loop3A = arith.constant 0 : i32
      %parallel_loop3A_97 = arith.constant 160 : i32
      %parallel_loop3A_98 = arith.constant 1 : i32
      scf.for %parallel_loop3A_109 = %parallel_loop3A to %parallel_loop3A_97 step %parallel_loop3A_98  : i32 {
        %parallel_loop3A_110 = arith.constant 16 : i32
        %parallel_loop3A_111 = arith.muli %parallel_loop3A_109, %parallel_loop3A_110 : i32
        %parallel_loop3A_112 = arith.constant 0 : i32
        %parallel_loop3A_113 = arith.addi %parallel_loop3A_112, %parallel_loop3A_111 : i32
        %parallel_loop3A_114 = arith.index_cast %parallel_loop3A_113 : i32 to index
        %parallel_loop3A_115 = tpu.vector_load %arg6[%parallel_loop3A_114] {strides = array<i32>} : memref<10240xi32, #tpu.memory_space<vmem>>, vector<16xi32>,
        %parallel_loop3A_116 = arith.constant 16 : i32
        %parallel_loop3A_117 = arith.muli %parallel_loop3A_109, %parallel_loop3A_116 : i32
        %parallel_loop3A_118 = arith.constant 2560 : i32
        %parallel_loop3A_119 = arith.addi %parallel_loop3A_118, %parallel_loop3A_117 : i32
        %parallel_loop3A_120 = arith.index_cast %parallel_loop3A_119 : i32 to index
        %parallel_loop3A_121 = tpu.vector_load %arg6[%parallel_loop3A_120] {strides = array<i32>} : memref<10240xi32, #tpu.memory_space<vmem>>, vector<16xi32>,
        %parallel_loop3A_122 = arith.constant 8 : i32
        %parallel_loop3A_123 = arith.divsi %parallel_loop3A_109, %parallel_loop3A_122 : i32
        %parallel_loop3A_124 = arith.constant 0 : i32
        %parallel_loop3A_125 = arith.cmpi sgt, %parallel_loop3A_109, %parallel_loop3A_124 : i32
        %parallel_loop3A_126 = arith.extui %parallel_loop3A_125 : i1 to i32
        %parallel_loop3A_127 = arith.constant 0 : i32
        %parallel_loop3A_128 = arith.cmpi slt, %parallel_loop3A_109, %parallel_loop3A_127 : i32
        %parallel_loop3A_129 = arith.extui %parallel_loop3A_128 : i1 to i32
        %parallel_loop3A_130 = arith.subi %parallel_loop3A_126, %parallel_loop3A_129 : i32
        %parallel_loop3A_131 = arith.constant 0 : i32
        %parallel_loop3A_132 = arith.cmpi sgt, %parallel_loop3A_122, %parallel_loop3A_131 : i32
        %parallel_loop3A_133 = arith.extui %parallel_loop3A_132 : i1 to i32
        %parallel_loop3A_134 = arith.constant 0 : i32
        %parallel_loop3A_135 = arith.cmpi slt, %parallel_loop3A_122, %parallel_loop3A_134 : i32
        %parallel_loop3A_136 = arith.extui %parallel_loop3A_135 : i1 to i32
        %parallel_loop3A_137 = arith.subi %parallel_loop3A_133, %parallel_loop3A_136 : i32
        %parallel_loop3A_138 = arith.cmpi ne, %parallel_loop3A_130, %parallel_loop3A_137 : i32
        %parallel_loop3A_139 = arith.remsi %parallel_loop3A_109, %parallel_loop3A_122 : i32
        %parallel_loop3A_140 = arith.constant 0 : i32
        %parallel_loop3A_141 = arith.cmpi ne, %parallel_loop3A_139, %parallel_loop3A_140 : i32
        %parallel_loop3A_142 = arith.andi %parallel_loop3A_138, %parallel_loop3A_141 : i1
        %parallel_loop3A_143 = arith.constant 1 : i32
        %parallel_loop3A_144 = arith.subi %parallel_loop3A_123, %parallel_loop3A_143 : i32
        %parallel_loop3A_145 = arith.select %parallel_loop3A_142, %parallel_loop3A_144, %parallel_loop3A_123 : i32
        %parallel_loop3A_146 = arith.constant 512 : i32
        %parallel_loop3A_147 = arith.muli %parallel_loop3A_145, %parallel_loop3A_146 : i32
        %parallel_loop3A_148 = arith.constant 0 : i32
        %parallel_loop3A_149 = arith.addi %parallel_loop3A_148, %parallel_loop3A_147 : i32
        %parallel_loop3A_150 = arith.constant 8 : i32
        %parallel_loop3A_151 = arith.constant 0 : i32
        %parallel_loop3A_152 = arith.cmpi eq, %parallel_loop3A_150, %parallel_loop3A_151 : i32
        %parallel_loop3A_153 = arith.constant 1 : i32
        %parallel_loop3A_154 = arith.select %parallel_loop3A_152, %parallel_loop3A_153, %parallel_loop3A_150 : i32
        %parallel_loop3A_155 = arith.remsi %parallel_loop3A_109, %parallel_loop3A_154 : i32
        %parallel_loop3A_156 = arith.constant 0 : i32
        %parallel_loop3A_157 = arith.cmpi ne, %parallel_loop3A_155, %parallel_loop3A_156 : i32
        %parallel_loop3A_158 = arith.constant 0 : i32
        %parallel_loop3A_159 = arith.cmpi slt, %parallel_loop3A_155, %parallel_loop3A_158 : i32
        %parallel_loop3A_160 = arith.constant 0 : i32
        %parallel_loop3A_161 = arith.cmpi slt, %parallel_loop3A_154, %parallel_loop3A_160 : i32
        %parallel_loop3A_162 = arith.xori %parallel_loop3A_159, %parallel_loop3A_161 : i1
        %parallel_loop3A_163 = arith.andi %parallel_loop3A_162, %parallel_loop3A_157 : i1
        %parallel_loop3A_164 = arith.addi %parallel_loop3A_155, %parallel_loop3A_154 : i32
        %parallel_loop3A_165 = arith.select %parallel_loop3A_163, %parallel_loop3A_164, %parallel_loop3A_155 : i32
        %parallel_loop3A_166 = arith.constant 16 : i32
        %parallel_loop3A_167 = arith.muli %parallel_loop3A_165, %parallel_loop3A_166 : i32
        %parallel_loop3A_168 = arith.addi %parallel_loop3A_149, %parallel_loop3A_167 : i32
        %parallel_loop3A_169 = arith.constant 0 : i32
        %parallel_loop3A_170 = vector.broadcast %parallel_loop3A_169 : i32 to vector<16xi32>
        %parallel_loop3A_171 = arith.addi %parallel_loop3A_115, %parallel_loop3A_170 : vector<16xi32>
        %parallel_loop3A_172 = tpu.vector_load_idx %arg5[%parallel_loop3A_171] : memref<80000xf32, #tpu.memory_space<vmem>>[vector<16xi32>], vector<16xf32>,
        %parallel_loop3A_173 = arith.constant 40000 : i32
        %parallel_loop3A_174 = vector.broadcast %parallel_loop3A_173 : i32 to vector<16xi32>
        %parallel_loop3A_175 = arith.addi %parallel_loop3A_121, %parallel_loop3A_174 : vector<16xi32>
        %parallel_loop3A_176 = tpu.vector_load_idx %arg5[%parallel_loop3A_175] : memref<80000xf32, #tpu.memory_space<vmem>>[vector<16xi32>], vector<16xf32>,
        %parallel_loop3A_177 = arith.addf %parallel_loop3A_172, %parallel_loop3A_176 : vector<16xf32>
        %parallel_loop3A_178 = arith.constant 0.000000e+00 : f32
        %parallel_loop3A_179 = vector.broadcast %parallel_loop3A_178 : f32 to vector<16xf32>
        %parallel_loop3A_180 = arith.cmpf oge, %parallel_loop3A_177, %parallel_loop3A_179 : vector<16xf32>
        %parallel_loop3A_181 = arith.constant 0.00999999977 : f32
        %parallel_loop3A_182 = vector.broadcast %parallel_loop3A_181 : f32 to vector<16xf32>
        %parallel_loop3A_183 = arith.mulf %parallel_loop3A_177, %parallel_loop3A_182 : vector<16xf32>
        %parallel_loop3A_184 = arith.select %parallel_loop3A_180, %parallel_loop3A_177, %parallel_loop3A_183 : vector<16xi1>, vector<16xf32>
        %parallel_loop3A_185 = arith.constant 0 : i32
        %parallel_loop3A_186 = arith.addi %parallel_loop3A_168, %parallel_loop3A_185 : i32
        %parallel_loop3A_187 = arith.index_cast %parallel_loop3A_186 : i32 to index
        %parallel_loop3A_188 = tpu.vector_load %arg7[%parallel_loop3A_187] {strides = array<i32>} : memref<20480xf32, #tpu.memory_space<vmem>>, vector<16xf32>,
        tpu.vector_store %arg7[%parallel_loop3A_187], %parallel_loop3A_184 {strides = array<i32>} : memref<20480xf32, #tpu.memory_space<vmem>>, vector<16xf32>,
        %parallel_loop3A_189 = arith.constant 10000 : i32
        %parallel_loop3A_190 = vector.broadcast %parallel_loop3A_189 : i32 to vector<16xi32>
        %parallel_loop3A_191 = arith.addi %parallel_loop3A_115, %parallel_loop3A_190 : vector<16xi32>
        %parallel_loop3A_192 = tpu.vector_load_idx %arg5[%parallel_loop3A_191] : memref<80000xf32, #tpu.memory_space<vmem>>[vector<16xi32>], vector<16xf32>,
        %parallel_loop3A_193 = arith.constant 50000 : i32
        %parallel_loop3A_194 = vector.broadcast %parallel_loop3A_193 : i32 to vector<16xi32>
        %parallel_loop3A_195 = arith.addi %parallel_loop3A_121, %parallel_loop3A_194 : vector<16xi32>
        %parallel_loop3A_196 = tpu.vector_load_idx %arg5[%parallel_loop3A_195] : memref<80000xf32, #tpu.memory_space<vmem>>[vector<16xi32>], vector<16xf32>,
        %parallel_loop3A_197 = arith.addf %parallel_loop3A_192, %parallel_loop3A_196 : vector<16xf32>
        %parallel_loop3A_198 = arith.constant 0.000000e+00 : f32
        %parallel_loop3A_199 = vector.broadcast %parallel_loop3A_198 : f32 to vector<16xf32>
        %parallel_loop3A_200 = arith.cmpf oge, %parallel_loop3A_197, %parallel_loop3A_199 : vector<16xf32>
        %parallel_loop3A_201 = arith.constant 0.00999999977 : f32
        %parallel_loop3A_202 = vector.broadcast %parallel_loop3A_201 : f32 to vector<16xf32>
        %parallel_loop3A_203 = arith.mulf %parallel_loop3A_197, %parallel_loop3A_202 : vector<16xf32>
        %parallel_loop3A_204 = arith.select %parallel_loop3A_200, %parallel_loop3A_197, %parallel_loop3A_203 : vector<16xi1>, vector<16xf32>
        %parallel_loop3A_205 = arith.constant 128 : i32
        %parallel_loop3A_206 = arith.addi %parallel_loop3A_168, %parallel_loop3A_205 : i32
        %parallel_loop3A_207 = arith.index_cast %parallel_loop3A_206 : i32 to index
        %parallel_loop3A_208 = tpu.vector_load %arg7[%parallel_loop3A_207] {strides = array<i32>} : memref<20480xf32, #tpu.memory_space<vmem>>, vector<16xf32>,
        tpu.vector_store %arg7[%parallel_loop3A_207], %parallel_loop3A_204 {strides = array<i32>} : memref<20480xf32, #tpu.memory_space<vmem>>, vector<16xf32>,
        %parallel_loop3A_209 = arith.constant 20000 : i32
        %parallel_loop3A_210 = vector.broadcast %parallel_loop3A_209 : i32 to vector<16xi32>
        %parallel_loop3A_211 = arith.addi %parallel_loop3A_115, %parallel_loop3A_210 : vector<16xi32>
        %parallel_loop3A_212 = tpu.vector_load_idx %arg5[%parallel_loop3A_211] : memref<80000xf32, #tpu.memory_space<vmem>>[vector<16xi32>], vector<16xf32>,
        %parallel_loop3A_213 = arith.constant 60000 : i32
        %parallel_loop3A_214 = vector.broadcast %parallel_loop3A_213 : i32 to vector<16xi32>
        %parallel_loop3A_215 = arith.addi %parallel_loop3A_121, %parallel_loop3A_214 : vector<16xi32>
        %parallel_loop3A_216 = tpu.vector_load_idx %arg5[%parallel_loop3A_215] : memref<80000xf32, #tpu.memory_space<vmem>>[vector<16xi32>], vector<16xf32>,
        %parallel_loop3A_217 = arith.addf %parallel_loop3A_212, %parallel_loop3A_216 : vector<16xf32>
        %parallel_loop3A_218 = arith.constant 0.000000e+00 : f32
        %parallel_loop3A_219 = vector.broadcast %parallel_loop3A_218 : f32 to vector<16xf32>
        %parallel_loop3A_220 = arith.cmpf oge, %parallel_loop3A_217, %parallel_loop3A_219 : vector<16xf32>
        %parallel_loop3A_221 = arith.constant 0.00999999977 : f32
        %parallel_loop3A_222 = vector.broadcast %parallel_loop3A_221 : f32 to vector<16xf32>
        %parallel_loop3A_223 = arith.mulf %parallel_loop3A_217, %parallel_loop3A_222 : vector<16xf32>
        %parallel_loop3A_224 = arith.select %parallel_loop3A_220, %parallel_loop3A_217, %parallel_loop3A_223 : vector<16xi1>, vector<16xf32>
        %parallel_loop3A_225 = arith.constant 256 : i32
        %parallel_loop3A_226 = arith.addi %parallel_loop3A_168, %parallel_loop3A_225 : i32
        %parallel_loop3A_227 = arith.index_cast %parallel_loop3A_226 : i32 to index
        %parallel_loop3A_228 = tpu.vector_load %arg7[%parallel_loop3A_227] {strides = array<i32>} : memref<20480xf32, #tpu.memory_space<vmem>>, vector<16xf32>,
        tpu.vector_store %arg7[%parallel_loop3A_227], %parallel_loop3A_224 {strides = array<i32>} : memref<20480xf32, #tpu.memory_space<vmem>>, vector<16xf32>,
        %parallel_loop3A_229 = arith.constant 30000 : i32
        %parallel_loop3A_230 = vector.broadcast %parallel_loop3A_229 : i32 to vector<16xi32>
        %parallel_loop3A_231 = arith.addi %parallel_loop3A_115, %parallel_loop3A_230 : vector<16xi32>
        %parallel_loop3A_232 = tpu.vector_load_idx %arg5[%parallel_loop3A_231] : memref<80000xf32, #tpu.memory_space<vmem>>[vector<16xi32>], vector<16xf32>,
        %parallel_loop3A_233 = arith.constant 70000 : i32
        %parallel_loop3A_234 = vector.broadcast %parallel_loop3A_233 : i32 to vector<16xi32>
        %parallel_loop3A_235 = arith.addi %parallel_loop3A_121, %parallel_loop3A_234 : vector<16xi32>
        %parallel_loop3A_236 = tpu.vector_load_idx %arg5[%parallel_loop3A_235] : memref<80000xf32, #tpu.memory_space<vmem>>[vector<16xi32>], vector<16xf32>,
        %parallel_loop3A_237 = arith.addf %parallel_loop3A_232, %parallel_loop3A_236 : vector<16xf32>
        %parallel_loop3A_238 = arith.constant 0.000000e+00 : f32
        %parallel_loop3A_239 = vector.broadcast %parallel_loop3A_238 : f32 to vector<16xf32>
        %parallel_loop3A_240 = arith.cmpf oge, %parallel_loop3A_237, %parallel_loop3A_239 : vector<16xf32>
        %parallel_loop3A_241 = arith.constant 0.00999999977 : f32
        %parallel_loop3A_242 = vector.broadcast %parallel_loop3A_241 : f32 to vector<16xf32>
        %parallel_loop3A_243 = arith.mulf %parallel_loop3A_237, %parallel_loop3A_242 : vector<16xf32>
        %parallel_loop3A_244 = arith.select %parallel_loop3A_240, %parallel_loop3A_237, %parallel_loop3A_243 : vector<16xi1>, vector<16xf32>
        %parallel_loop3A_245 = arith.constant 384 : i32
        %parallel_loop3A_246 = arith.addi %parallel_loop3A_168, %parallel_loop3A_245 : i32
        %parallel_loop3A_247 = arith.index_cast %parallel_loop3A_246 : i32 to index
        %parallel_loop3A_248 = tpu.vector_load %arg7[%parallel_loop3A_247] {strides = array<i32>} : memref<20480xf32, #tpu.memory_space<vmem>>, vector<16xf32>,
        tpu.vector_store %arg7[%parallel_loop3A_247], %parallel_loop3A_244 {strides = array<i32>} : memref<20480xf32, #tpu.memory_space<vmem>>, vector<16xf32>,
      } {sc.loop_unroll_factor = 2 : i64, sc.parallel_access}
      %mul3A_99 = arith.constant 2560 : i32
      %mul3A_100 = arith.muli %add3A_17, %mul3A_99 : i32
      %mul3A_101 = arith.constant 4 : i32
      %mul3A_102 = arith.muli %mul3A_100, %mul3A_101 : i32
      %dma_start3A_103 = arith.constant 0 : i32
      %dma_start3A_104 = tpu.memref_slice %arg7[%dma_start3A_103] : memref<20480xf32, #tpu.memory_space<vmem>> -> memref<10240xf32, #tpu.memory_space<vmem>>
      %dma_start3A_105 = tpu.memref_slice %arg4[%mul3A_102] : memref<1280000xf32, #tpu.memory_space<hbm>> -> memref<10240xf32, #tpu.memory_space<hbm>>
      %dma_start3A_106 = tpu.memref_slice %arg4[%mul3A_102] : memref<1280000xf32, #tpu.memory_space<hbm>> -> memref<10240xf32, #tpu.memory_space<hbm>>
      %dma_start3A_107 = arith.constant 0 : i32
      %dma_start3A_108 = tpu.memref_slice %arg7[%dma_start3A_107] : memref<20480xf32, #tpu.memory_space<vmem>> -> memref<10240xf32, #tpu.memory_space<vmem>>
      tpu.enqueue_dma source(%dma_start3A_108 : memref<10240xf32, #tpu.memory_space<vmem>>) target(%dma_start3A_106 : memref<10240xf32, #tpu.memory_space<hbm>>) target_semaphore(%arg11 : memref<!tpu.dma_semaphore, #tpu.memory_space<semaphore_mem>>)
    } else {
    }
    %add3A_20 = arith.constant 32 : i32
    %add3A_21 = arith.addi %add3A_20, %add3A : i32
    %lt3A_22 = arith.constant 125 : i32
    %lt3A_23 = arith.cmpi slt, %add3A_21, %lt3A_22 : i32
    %convert_element_type3A_24 = arith.extui %lt3A_23 : i1 to i32
    %cond3A_25 = arith.constant 0 : i32
    %cond3A_26 = arith.cmpi ne, %convert_element_type3A_24, %cond3A_25 : i32
    scf.if %cond3A_26 {
      %mul3A_75 = arith.constant 2560 : i32
      %mul3A_76 = arith.muli %add3A_21, %mul3A_75 : i32
      %add3A_77 = arith.constant 320000 : i32
      %add3A_78 = arith.addi %add3A_77, %mul3A_76 : i32
      %dma_wait3A = arith.constant 5120 : i32
      %dma_wait3A_79 = tpu.memref_slice %arg6[%dma_wait3A] : memref<10240xi32, #tpu.memory_space<vmem>> -> memref<2560xi32, #tpu.memory_space<vmem>>
      %dma_wait3A_80 = tpu.memref_slice %arg3[%mul3A_76] : memref<640000xi32, #tpu.memory_space<hbm>> -> memref<2560xi32, #tpu.memory_space<hbm>>
      %dma_wait3A_81 = arith.constant 5120 : i32
      %dma_wait3A_82 = tpu.memref_slice %arg6[%dma_wait3A_81] : memref<10240xi32, #tpu.memory_space<vmem>> -> memref<2560xi32, #tpu.memory_space<vmem>>
      %dma_wait3A_83 = tpu.memref_slice %arg3[%mul3A_76] : memref<640000xi32, #tpu.memory_space<hbm>> -> memref<2560xi32, #tpu.memory_space<hbm>>
      tpu.wait_dma2 semaphore(%arg10 : memref<!tpu.dma_semaphore, #tpu.memory_space<semaphore_mem>>) src(%dma_wait3A_83 : memref<2560xi32, #tpu.memory_space<hbm>>) dst(%dma_wait3A_82 : memref<2560xi32, #tpu.memory_space<vmem>>)
      %dma_wait3A_84 = arith.constant 7680 : i32
      %dma_wait3A_85 = tpu.memref_slice %arg6[%dma_wait3A_84] : memref<10240xi32, #tpu.memory_space<vmem>> -> memref<2560xi32, #tpu.memory_space<vmem>>
      %dma_wait3A_86 = tpu.memref_slice %arg3[%add3A_78] : memref<640000xi32, #tpu.memory_space<hbm>> -> memref<2560xi32, #tpu.memory_space<hbm>>
      %dma_wait3A_87 = arith.constant 7680 : i32
      %dma_wait3A_88 = tpu.memref_slice %arg6[%dma_wait3A_87] : memref<10240xi32, #tpu.memory_space<vmem>> -> memref<2560xi32, #tpu.memory_space<vmem>>
      %dma_wait3A_89 = tpu.memref_slice %arg3[%add3A_78] : memref<640000xi32, #tpu.memory_space<hbm>> -> memref<2560xi32, #tpu.memory_space<hbm>>
      tpu.wait_dma2 semaphore(%arg10 : memref<!tpu.dma_semaphore, #tpu.memory_space<semaphore_mem>>) src(%dma_wait3A_89 : memref<2560xi32, #tpu.memory_space<hbm>>) dst(%dma_wait3A_88 : memref<2560xi32, #tpu.memory_space<vmem>>)
      %add3A_90 = arith.constant 64 : i32
      %add3A_91 = arith.addi %add3A_90, %add3A : i32
      %lt3A_92 = arith.constant 125 : i32
      %lt3A_93 = arith.cmpi slt, %add3A_91, %lt3A_92 : i32
      %convert_element_type3A_94 = arith.extui %lt3A_93 : i1 to i32
      %cond3A_95 = arith.constant 0 : i32
      %cond3A_96 = arith.cmpi ne, %convert_element_type3A_94, %cond3A_95 : i32
      scf.if %cond3A_96 {
        %mul3A_109 = arith.constant 2560 : i32
        %mul3A_110 = arith.muli %add3A_91, %mul3A_109 : i32
        %add3A_111 = arith.constant 320000 : i32
        %add3A_112 = arith.addi %add3A_111, %mul3A_110 : i32
        %dma_start3A_113 = arith.constant 0 : i32
        %dma_start3A_114 = tpu.memref_slice %arg6[%dma_start3A_113] : memref<10240xi32, #tpu.memory_space<vmem>> -> memref<2560xi32, #tpu.memory_space<vmem>>
        %dma_start3A_115 = tpu.memref_slice %arg3[%mul3A_110] : memref<640000xi32, #tpu.memory_space<hbm>> -> memref<2560xi32, #tpu.memory_space<hbm>>
        %dma_start3A_116 = arith.constant 0 : i32
        %dma_start3A_117 = tpu.memref_slice %arg6[%dma_start3A_116] : memref<10240xi32, #tpu.memory_space<vmem>> -> memref<2560xi32, #tpu.memory_space<vmem>>
        %dma_start3A_118 = tpu.memref_slice %arg3[%mul3A_110] : memref<640000xi32, #tpu.memory_space<hbm>> -> memref<2560xi32, #tpu.memory_space<hbm>>
        tpu.enqueue_dma source(%dma_start3A_118 : memref<2560xi32, #tpu.memory_space<hbm>>) target(%dma_start3A_117 : memref<2560xi32, #tpu.memory_space<vmem>>) target_semaphore(%arg9 : memref<!tpu.dma_semaphore, #tpu.memory_space<semaphore_mem>>)
        %dma_start3A_119 = arith.constant 2560 : i32
        %dma_start3A_120 = tpu.memref_slice %arg6[%dma_start3A_119] : memref<10240xi32, #tpu.memory_space<vmem>> -> memref<2560xi32, #tpu.memory_space<vmem>>
        %dma_start3A_121 = tpu.memref_slice %arg3[%add3A_112] : memref<640000xi32, #tpu.memory_space<hbm>> -> memref<2560xi32, #tpu.memory_space<hbm>>
        %dma_start3A_122 = arith.constant 2560 : i32
        %dma_start3A_123 = tpu.memref_slice %arg6[%dma_start3A_122] : memref<10240xi32, #tpu.memory_space<vmem>> -> memref<2560xi32, #tpu.memory_space<vmem>>
        %dma_start3A_124 = tpu.memref_slice %arg3[%add3A_112] : memref<640000xi32, #tpu.memory_space<hbm>> -> memref<2560xi32, #tpu.memory_space<hbm>>
        tpu.enqueue_dma source(%dma_start3A_124 : memref<2560xi32, #tpu.memory_space<hbm>>) target(%dma_start3A_123 : memref<2560xi32, #tpu.memory_space<vmem>>) target_semaphore(%arg9 : memref<!tpu.dma_semaphore, #tpu.memory_space<semaphore_mem>>)
      } else {
      }
      %parallel_loop3A = arith.constant 0 : i32
      %parallel_loop3A_97 = arith.constant 160 : i32
      %parallel_loop3A_98 = arith.constant 1 : i32
      scf.for %parallel_loop3A_109 = %parallel_loop3A to %parallel_loop3A_97 step %parallel_loop3A_98  : i32 {
        %parallel_loop3A_110 = arith.constant 16 : i32
        %parallel_loop3A_111 = arith.muli %parallel_loop3A_109, %parallel_loop3A_110 : i32
        %parallel_loop3A_112 = arith.constant 5120 : i32
        %parallel_loop3A_113 = arith.addi %parallel_loop3A_112, %parallel_loop3A_111 : i32
        %parallel_loop3A_114 = arith.index_cast %parallel_loop3A_113 : i32 to index
        %parallel_loop3A_115 = tpu.vector_load %arg6[%parallel_loop3A_114] {strides = array<i32>} : memref<10240xi32, #tpu.memory_space<vmem>>, vector<16xi32>,
        %parallel_loop3A_116 = arith.constant 16 : i32
        %parallel_loop3A_117 = arith.muli %parallel_loop3A_109, %parallel_loop3A_116 : i32
        %parallel_loop3A_118 = arith.constant 7680 : i32
        %parallel_loop3A_119 = arith.addi %parallel_loop3A_118, %parallel_loop3A_117 : i32
        %parallel_loop3A_120 = arith.index_cast %parallel_loop3A_119 : i32 to index
        %parallel_loop3A_121 = tpu.vector_load %arg6[%parallel_loop3A_120] {strides = array<i32>} : memref<10240xi32, #tpu.memory_space<vmem>>, vector<16xi32>,
        %parallel_loop3A_122 = arith.constant 8 : i32
        %parallel_loop3A_123 = arith.divsi %parallel_loop3A_109, %parallel_loop3A_122 : i32
        %parallel_loop3A_124 = arith.constant 0 : i32
        %parallel_loop3A_125 = arith.cmpi sgt, %parallel_loop3A_109, %parallel_loop3A_124 : i32
        %parallel_loop3A_126 = arith.extui %parallel_loop3A_125 : i1 to i32
        %parallel_loop3A_127 = arith.constant 0 : i32
        %parallel_loop3A_128 = arith.cmpi slt, %parallel_loop3A_109, %parallel_loop3A_127 : i32
        %parallel_loop3A_129 = arith.extui %parallel_loop3A_128 : i1 to i32
        %parallel_loop3A_130 = arith.subi %parallel_loop3A_126, %parallel_loop3A_129 : i32
        %parallel_loop3A_131 = arith.constant 0 : i32
        %parallel_loop3A_132 = arith.cmpi sgt, %parallel_loop3A_122, %parallel_loop3A_131 : i32
        %parallel_loop3A_133 = arith.extui %parallel_loop3A_132 : i1 to i32
        %parallel_loop3A_134 = arith.constant 0 : i32
        %parallel_loop3A_135 = arith.cmpi slt, %parallel_loop3A_122, %parallel_loop3A_134 : i32
        %parallel_loop3A_136 = arith.extui %parallel_loop3A_135 : i1 to i32
        %parallel_loop3A_137 = arith.subi %parallel_loop3A_133, %parallel_loop3A_136 : i32
        %parallel_loop3A_138 = arith.cmpi ne, %parallel_loop3A_130, %parallel_loop3A_137 : i32
        %parallel_loop3A_139 = arith.remsi %parallel_loop3A_109, %parallel_loop3A_122 : i32
        %parallel_loop3A_140 = arith.constant 0 : i32
        %parallel_loop3A_141 = arith.cmpi ne, %parallel_loop3A_139, %parallel_loop3A_140 : i32
        %parallel_loop3A_142 = arith.andi %parallel_loop3A_138, %parallel_loop3A_141 : i1
        %parallel_loop3A_143 = arith.constant 1 : i32
        %parallel_loop3A_144 = arith.subi %parallel_loop3A_123, %parallel_loop3A_143 : i32
        %parallel_loop3A_145 = arith.select %parallel_loop3A_142, %parallel_loop3A_144, %parallel_loop3A_123 : i32
        %parallel_loop3A_146 = arith.constant 512 : i32
        %parallel_loop3A_147 = arith.muli %parallel_loop3A_145, %parallel_loop3A_146 : i32
        %parallel_loop3A_148 = arith.constant 10240 : i32
        %parallel_loop3A_149 = arith.addi %parallel_loop3A_148, %parallel_loop3A_147 : i32
        %parallel_loop3A_150 = arith.constant 8 : i32
        %parallel_loop3A_151 = arith.constant 0 : i32
        %parallel_loop3A_152 = arith.cmpi eq, %parallel_loop3A_150, %parallel_loop3A_151 : i32
        %parallel_loop3A_153 = arith.constant 1 : i32
        %parallel_loop3A_154 = arith.select %parallel_loop3A_152, %parallel_loop3A_153, %parallel_loop3A_150 : i32
        %parallel_loop3A_155 = arith.remsi %parallel_loop3A_109, %parallel_loop3A_154 : i32
        %parallel_loop3A_156 = arith.constant 0 : i32
        %parallel_loop3A_157 = arith.cmpi ne, %parallel_loop3A_155, %parallel_loop3A_156 : i32
        %parallel_loop3A_158 = arith.constant 0 : i32
        %parallel_loop3A_159 = arith.cmpi slt, %parallel_loop3A_155, %parallel_loop3A_158 : i32
        %parallel_loop3A_160 = arith.constant 0 : i32
        %parallel_loop3A_161 = arith.cmpi slt, %parallel_loop3A_154, %parallel_loop3A_160 : i32
        %parallel_loop3A_162 = arith.xori %parallel_loop3A_159, %parallel_loop3A_161 : i1
        %parallel_loop3A_163 = arith.andi %parallel_loop3A_162, %parallel_loop3A_157 : i1
        %parallel_loop3A_164 = arith.addi %parallel_loop3A_155, %parallel_loop3A_154 : i32
        %parallel_loop3A_165 = arith.select %parallel_loop3A_163, %parallel_loop3A_164, %parallel_loop3A_155 : i32
        %parallel_loop3A_166 = arith.constant 16 : i32
        %parallel_loop3A_167 = arith.muli %parallel_loop3A_165, %parallel_loop3A_166 : i32
        %parallel_loop3A_168 = arith.addi %parallel_loop3A_149, %parallel_loop3A_167 : i32
        %parallel_loop3A_169 = arith.constant 0 : i32
        %parallel_loop3A_170 = vector.broadcast %parallel_loop3A_169 : i32 to vector<16xi32>
        %parallel_loop3A_171 = arith.addi %parallel_loop3A_115, %parallel_loop3A_170 : vector<16xi32>
        %parallel_loop3A_172 = tpu.vector_load_idx %arg5[%parallel_loop3A_171] : memref<80000xf32, #tpu.memory_space<vmem>>[vector<16xi32>], vector<16xf32>,
        %parallel_loop3A_173 = arith.constant 40000 : i32
        %parallel_loop3A_174 = vector.broadcast %parallel_loop3A_173 : i32 to vector<16xi32>
        %parallel_loop3A_175 = arith.addi %parallel_loop3A_121, %parallel_loop3A_174 : vector<16xi32>
        %parallel_loop3A_176 = tpu.vector_load_idx %arg5[%parallel_loop3A_175] : memref<80000xf32, #tpu.memory_space<vmem>>[vector<16xi32>], vector<16xf32>,
        %parallel_loop3A_177 = arith.addf %parallel_loop3A_172, %parallel_loop3A_176 : vector<16xf32>
        %parallel_loop3A_178 = arith.constant 0.000000e+00 : f32
        %parallel_loop3A_179 = vector.broadcast %parallel_loop3A_178 : f32 to vector<16xf32>
        %parallel_loop3A_180 = arith.cmpf oge, %parallel_loop3A_177, %parallel_loop3A_179 : vector<16xf32>
        %parallel_loop3A_181 = arith.constant 0.00999999977 : f32
        %parallel_loop3A_182 = vector.broadcast %parallel_loop3A_181 : f32 to vector<16xf32>
        %parallel_loop3A_183 = arith.mulf %parallel_loop3A_177, %parallel_loop3A_182 : vector<16xf32>
        %parallel_loop3A_184 = arith.select %parallel_loop3A_180, %parallel_loop3A_177, %parallel_loop3A_183 : vector<16xi1>, vector<16xf32>
        %parallel_loop3A_185 = arith.constant 0 : i32
        %parallel_loop3A_186 = arith.addi %parallel_loop3A_168, %parallel_loop3A_185 : i32
        %parallel_loop3A_187 = arith.index_cast %parallel_loop3A_186 : i32 to index
        %parallel_loop3A_188 = tpu.vector_load %arg7[%parallel_loop3A_187] {strides = array<i32>} : memref<20480xf32, #tpu.memory_space<vmem>>, vector<16xf32>,
        tpu.vector_store %arg7[%parallel_loop3A_187], %parallel_loop3A_184 {strides = array<i32>} : memref<20480xf32, #tpu.memory_space<vmem>>, vector<16xf32>,
        %parallel_loop3A_189 = arith.constant 10000 : i32
        %parallel_loop3A_190 = vector.broadcast %parallel_loop3A_189 : i32 to vector<16xi32>
        %parallel_loop3A_191 = arith.addi %parallel_loop3A_115, %parallel_loop3A_190 : vector<16xi32>
        %parallel_loop3A_192 = tpu.vector_load_idx %arg5[%parallel_loop3A_191] : memref<80000xf32, #tpu.memory_space<vmem>>[vector<16xi32>], vector<16xf32>,
        %parallel_loop3A_193 = arith.constant 50000 : i32
        %parallel_loop3A_194 = vector.broadcast %parallel_loop3A_193 : i32 to vector<16xi32>
        %parallel_loop3A_195 = arith.addi %parallel_loop3A_121, %parallel_loop3A_194 : vector<16xi32>
        %parallel_loop3A_196 = tpu.vector_load_idx %arg5[%parallel_loop3A_195] : memref<80000xf32, #tpu.memory_space<vmem>>[vector<16xi32>], vector<16xf32>,
        %parallel_loop3A_197 = arith.addf %parallel_loop3A_192, %parallel_loop3A_196 : vector<16xf32>
        %parallel_loop3A_198 = arith.constant 0.000000e+00 : f32
        %parallel_loop3A_199 = vector.broadcast %parallel_loop3A_198 : f32 to vector<16xf32>
        %parallel_loop3A_200 = arith.cmpf oge, %parallel_loop3A_197, %parallel_loop3A_199 : vector<16xf32>
        %parallel_loop3A_201 = arith.constant 0.00999999977 : f32
        %parallel_loop3A_202 = vector.broadcast %parallel_loop3A_201 : f32 to vector<16xf32>
        %parallel_loop3A_203 = arith.mulf %parallel_loop3A_197, %parallel_loop3A_202 : vector<16xf32>
        %parallel_loop3A_204 = arith.select %parallel_loop3A_200, %parallel_loop3A_197, %parallel_loop3A_203 : vector<16xi1>, vector<16xf32>
        %parallel_loop3A_205 = arith.constant 128 : i32
        %parallel_loop3A_206 = arith.addi %parallel_loop3A_168, %parallel_loop3A_205 : i32
        %parallel_loop3A_207 = arith.index_cast %parallel_loop3A_206 : i32 to index
        %parallel_loop3A_208 = tpu.vector_load %arg7[%parallel_loop3A_207] {strides = array<i32>} : memref<20480xf32, #tpu.memory_space<vmem>>, vector<16xf32>,
        tpu.vector_store %arg7[%parallel_loop3A_207], %parallel_loop3A_204 {strides = array<i32>} : memref<20480xf32, #tpu.memory_space<vmem>>, vector<16xf32>,
        %parallel_loop3A_209 = arith.constant 20000 : i32
        %parallel_loop3A_210 = vector.broadcast %parallel_loop3A_209 : i32 to vector<16xi32>
        %parallel_loop3A_211 = arith.addi %parallel_loop3A_115, %parallel_loop3A_210 : vector<16xi32>
        %parallel_loop3A_212 = tpu.vector_load_idx %arg5[%parallel_loop3A_211] : memref<80000xf32, #tpu.memory_space<vmem>>[vector<16xi32>], vector<16xf32>,
        %parallel_loop3A_213 = arith.constant 60000 : i32
        %parallel_loop3A_214 = vector.broadcast %parallel_loop3A_213 : i32 to vector<16xi32>
        %parallel_loop3A_215 = arith.addi %parallel_loop3A_121, %parallel_loop3A_214 : vector<16xi32>
        %parallel_loop3A_216 = tpu.vector_load_idx %arg5[%parallel_loop3A_215] : memref<80000xf32, #tpu.memory_space<vmem>>[vector<16xi32>], vector<16xf32>,
        %parallel_loop3A_217 = arith.addf %parallel_loop3A_212, %parallel_loop3A_216 : vector<16xf32>
        %parallel_loop3A_218 = arith.constant 0.000000e+00 : f32
        %parallel_loop3A_219 = vector.broadcast %parallel_loop3A_218 : f32 to vector<16xf32>
        %parallel_loop3A_220 = arith.cmpf oge, %parallel_loop3A_217, %parallel_loop3A_219 : vector<16xf32>
        %parallel_loop3A_221 = arith.constant 0.00999999977 : f32
        %parallel_loop3A_222 = vector.broadcast %parallel_loop3A_221 : f32 to vector<16xf32>
        %parallel_loop3A_223 = arith.mulf %parallel_loop3A_217, %parallel_loop3A_222 : vector<16xf32>
        %parallel_loop3A_224 = arith.select %parallel_loop3A_220, %parallel_loop3A_217, %parallel_loop3A_223 : vector<16xi1>, vector<16xf32>
        %parallel_loop3A_225 = arith.constant 256 : i32
        %parallel_loop3A_226 = arith.addi %parallel_loop3A_168, %parallel_loop3A_225 : i32
        %parallel_loop3A_227 = arith.index_cast %parallel_loop3A_226 : i32 to index
        %parallel_loop3A_228 = tpu.vector_load %arg7[%parallel_loop3A_227] {strides = array<i32>} : memref<20480xf32, #tpu.memory_space<vmem>>, vector<16xf32>,
        tpu.vector_store %arg7[%parallel_loop3A_227], %parallel_loop3A_224 {strides = array<i32>} : memref<20480xf32, #tpu.memory_space<vmem>>, vector<16xf32>,
        %parallel_loop3A_229 = arith.constant 30000 : i32
        %parallel_loop3A_230 = vector.broadcast %parallel_loop3A_229 : i32 to vector<16xi32>
        %parallel_loop3A_231 = arith.addi %parallel_loop3A_115, %parallel_loop3A_230 : vector<16xi32>
        %parallel_loop3A_232 = tpu.vector_load_idx %arg5[%parallel_loop3A_231] : memref<80000xf32, #tpu.memory_space<vmem>>[vector<16xi32>], vector<16xf32>,
        %parallel_loop3A_233 = arith.constant 70000 : i32
        %parallel_loop3A_234 = vector.broadcast %parallel_loop3A_233 : i32 to vector<16xi32>
        %parallel_loop3A_235 = arith.addi %parallel_loop3A_121, %parallel_loop3A_234 : vector<16xi32>
        %parallel_loop3A_236 = tpu.vector_load_idx %arg5[%parallel_loop3A_235] : memref<80000xf32, #tpu.memory_space<vmem>>[vector<16xi32>], vector<16xf32>,
        %parallel_loop3A_237 = arith.addf %parallel_loop3A_232, %parallel_loop3A_236 : vector<16xf32>
        %parallel_loop3A_238 = arith.constant 0.000000e+00 : f32
        %parallel_loop3A_239 = vector.broadcast %parallel_loop3A_238 : f32 to vector<16xf32>
        %parallel_loop3A_240 = arith.cmpf oge, %parallel_loop3A_237, %parallel_loop3A_239 : vector<16xf32>
        %parallel_loop3A_241 = arith.constant 0.00999999977 : f32
        %parallel_loop3A_242 = vector.broadcast %parallel_loop3A_241 : f32 to vector<16xf32>
        %parallel_loop3A_243 = arith.mulf %parallel_loop3A_237, %parallel_loop3A_242 : vector<16xf32>
        %parallel_loop3A_244 = arith.select %parallel_loop3A_240, %parallel_loop3A_237, %parallel_loop3A_243 : vector<16xi1>, vector<16xf32>
        %parallel_loop3A_245 = arith.constant 384 : i32
        %parallel_loop3A_246 = arith.addi %parallel_loop3A_168, %parallel_loop3A_245 : i32
        %parallel_loop3A_247 = arith.index_cast %parallel_loop3A_246 : i32 to index
        %parallel_loop3A_248 = tpu.vector_load %arg7[%parallel_loop3A_247] {strides = array<i32>} : memref<20480xf32, #tpu.memory_space<vmem>>, vector<16xf32>,
        tpu.vector_store %arg7[%parallel_loop3A_247], %parallel_loop3A_244 {strides = array<i32>} : memref<20480xf32, #tpu.memory_space<vmem>>, vector<16xf32>,
      } {sc.loop_unroll_factor = 2 : i64, sc.parallel_access}
      %mul3A_99 = arith.constant 2560 : i32
      %mul3A_100 = arith.muli %add3A_21, %mul3A_99 : i32
      %mul3A_101 = arith.constant 4 : i32
      %mul3A_102 = arith.muli %mul3A_100, %mul3A_101 : i32
      %dma_start3A_103 = arith.constant 10240 : i32
      %dma_start3A_104 = tpu.memref_slice %arg7[%dma_start3A_103] : memref<20480xf32, #tpu.memory_space<vmem>> -> memref<10240xf32, #tpu.memory_space<vmem>>
      %dma_start3A_105 = tpu.memref_slice %arg4[%mul3A_102] : memref<1280000xf32, #tpu.memory_space<hbm>> -> memref<10240xf32, #tpu.memory_space<hbm>>
      %dma_start3A_106 = tpu.memref_slice %arg4[%mul3A_102] : memref<1280000xf32, #tpu.memory_space<hbm>> -> memref<10240xf32, #tpu.memory_space<hbm>>
      %dma_start3A_107 = arith.constant 10240 : i32
      %dma_start3A_108 = tpu.memref_slice %arg7[%dma_start3A_107] : memref<20480xf32, #tpu.memory_space<vmem>> -> memref<10240xf32, #tpu.memory_space<vmem>>
      tpu.enqueue_dma source(%dma_start3A_108 : memref<10240xf32, #tpu.memory_space<vmem>>) target(%dma_start3A_106 : memref<10240xf32, #tpu.memory_space<hbm>>) target_semaphore(%arg12 : memref<!tpu.dma_semaphore, #tpu.memory_space<semaphore_mem>>)
    } else {
    }
    %add3A_27 = arith.constant 64 : i32
    %add3A_28 = arith.addi %add3A_27, %add3A : i32
    %lt3A_29 = arith.constant 125 : i32
    %lt3A_30 = arith.cmpi slt, %add3A_28, %lt3A_29 : i32
    %convert_element_type3A_31 = arith.extui %lt3A_30 : i1 to i32
    %cond3A_32 = arith.constant 0 : i32
    %cond3A_33 = arith.cmpi ne, %convert_element_type3A_31, %cond3A_32 : i32
    scf.if %cond3A_33 {
      %mul3A_75 = arith.constant 2560 : i32
      %mul3A_76 = arith.muli %add3A_28, %mul3A_75 : i32
      %add3A_77 = arith.constant 320000 : i32
      %add3A_78 = arith.addi %add3A_77, %mul3A_76 : i32
      %dma_wait3A = arith.constant 0 : i32
      %dma_wait3A_79 = tpu.memref_slice %arg6[%dma_wait3A] : memref<10240xi32, #tpu.memory_space<vmem>> -> memref<2560xi32, #tpu.memory_space<vmem>>
      %dma_wait3A_80 = tpu.memref_slice %arg3[%mul3A_76] : memref<640000xi32, #tpu.memory_space<hbm>> -> memref<2560xi32, #tpu.memory_space<hbm>>
      %dma_wait3A_81 = arith.constant 0 : i32
      %dma_wait3A_82 = tpu.memref_slice %arg6[%dma_wait3A_81] : memref<10240xi32, #tpu.memory_space<vmem>> -> memref<2560xi32, #tpu.memory_space<vmem>>
      %dma_wait3A_83 = tpu.memref_slice %arg3[%mul3A_76] : memref<640000xi32, #tpu.memory_space<hbm>> -> memref<2560xi32, #tpu.memory_space<hbm>>
      tpu.wait_dma2 semaphore(%arg9 : memref<!tpu.dma_semaphore, #tpu.memory_space<semaphore_mem>>) src(%dma_wait3A_83 : memref<2560xi32, #tpu.memory_space<hbm>>) dst(%dma_wait3A_82 : memref<2560xi32, #tpu.memory_space<vmem>>)
      %dma_wait3A_84 = arith.constant 2560 : i32
      %dma_wait3A_85 = tpu.memref_slice %arg6[%dma_wait3A_84] : memref<10240xi32, #tpu.memory_space<vmem>> -> memref<2560xi32, #tpu.memory_space<vmem>>
      %dma_wait3A_86 = tpu.memref_slice %arg3[%add3A_78] : memref<640000xi32, #tpu.memory_space<hbm>> -> memref<2560xi32, #tpu.memory_space<hbm>>
      %dma_wait3A_87 = arith.constant 2560 : i32
      %dma_wait3A_88 = tpu.memref_slice %arg6[%dma_wait3A_87] : memref<10240xi32, #tpu.memory_space<vmem>> -> memref<2560xi32, #tpu.memory_space<vmem>>
      %dma_wait3A_89 = tpu.memref_slice %arg3[%add3A_78] : memref<640000xi32, #tpu.memory_space<hbm>> -> memref<2560xi32, #tpu.memory_space<hbm>>
      tpu.wait_dma2 semaphore(%arg9 : memref<!tpu.dma_semaphore, #tpu.memory_space<semaphore_mem>>) src(%dma_wait3A_89 : memref<2560xi32, #tpu.memory_space<hbm>>) dst(%dma_wait3A_88 : memref<2560xi32, #tpu.memory_space<vmem>>)
      %add3A_90 = arith.constant 96 : i32
      %add3A_91 = arith.addi %add3A_90, %add3A : i32
      %lt3A_92 = arith.constant 125 : i32
      %lt3A_93 = arith.cmpi slt, %add3A_91, %lt3A_92 : i32
      %convert_element_type3A_94 = arith.extui %lt3A_93 : i1 to i32
      %cond3A_95 = arith.constant 0 : i32
      %cond3A_96 = arith.cmpi ne, %convert_element_type3A_94, %cond3A_95 : i32
      scf.if %cond3A_96 {
        %mul3A_121 = arith.constant 2560 : i32
        %mul3A_122 = arith.muli %add3A_91, %mul3A_121 : i32
        %add3A_123 = arith.constant 320000 : i32
        %add3A_124 = arith.addi %add3A_123, %mul3A_122 : i32
        %dma_start3A_125 = arith.constant 5120 : i32
        %dma_start3A_126 = tpu.memref_slice %arg6[%dma_start3A_125] : memref<10240xi32, #tpu.memory_space<vmem>> -> memref<2560xi32, #tpu.memory_space<vmem>>
        %dma_start3A_127 = tpu.memref_slice %arg3[%mul3A_122] : memref<640000xi32, #tpu.memory_space<hbm>> -> memref<2560xi32, #tpu.memory_space<hbm>>
        %dma_start3A_128 = arith.constant 5120 : i32
        %dma_start3A_129 = tpu.memref_slice %arg6[%dma_start3A_128] : memref<10240xi32, #tpu.memory_space<vmem>> -> memref<2560xi32, #tpu.memory_space<vmem>>
        %dma_start3A_130 = tpu.memref_slice %arg3[%mul3A_122] : memref<640000xi32, #tpu.memory_space<hbm>> -> memref<2560xi32, #tpu.memory_space<hbm>>
        tpu.enqueue_dma source(%dma_start3A_130 : memref<2560xi32, #tpu.memory_space<hbm>>) target(%dma_start3A_129 : memref<2560xi32, #tpu.memory_space<vmem>>) target_semaphore(%arg10 : memref<!tpu.dma_semaphore, #tpu.memory_space<semaphore_mem>>)
        %dma_start3A_131 = arith.constant 7680 : i32
        %dma_start3A_132 = tpu.memref_slice %arg6[%dma_start3A_131] : memref<10240xi32, #tpu.memory_space<vmem>> -> memref<2560xi32, #tpu.memory_space<vmem>>
        %dma_start3A_133 = tpu.memref_slice %arg3[%add3A_124] : memref<640000xi32, #tpu.memory_space<hbm>> -> memref<2560xi32, #tpu.memory_space<hbm>>
        %dma_start3A_134 = arith.constant 7680 : i32
        %dma_start3A_135 = tpu.memref_slice %arg6[%dma_start3A_134] : memref<10240xi32, #tpu.memory_space<vmem>> -> memref<2560xi32, #tpu.memory_space<vmem>>
        %dma_start3A_136 = tpu.memref_slice %arg3[%add3A_124] : memref<640000xi32, #tpu.memory_space<hbm>> -> memref<2560xi32, #tpu.memory_space<hbm>>
        tpu.enqueue_dma source(%dma_start3A_136 : memref<2560xi32, #tpu.memory_space<hbm>>) target(%dma_start3A_135 : memref<2560xi32, #tpu.memory_space<vmem>>) target_semaphore(%arg10 : memref<!tpu.dma_semaphore, #tpu.memory_space<semaphore_mem>>)
      } else {
      }
      %add3A_97 = arith.constant 0 : i32
      %add3A_98 = arith.addi %add3A_97, %add3A : i32
      %mul3A_99 = arith.constant 2560 : i32
      %mul3A_100 = arith.muli %add3A_98, %mul3A_99 : i32
      %mul3A_101 = arith.constant 4 : i32
      %mul3A_102 = arith.muli %mul3A_100, %mul3A_101 : i32
      %dma_wait3A_103 = arith.constant 0 : i32
      %dma_wait3A_104 = tpu.memref_slice %arg7[%dma_wait3A_103] : memref<20480xf32, #tpu.memory_space<vmem>> -> memref<10240xf32, #tpu.memory_space<vmem>>
      %dma_wait3A_105 = tpu.memref_slice %arg4[%mul3A_102] : memref<1280000xf32, #tpu.memory_space<hbm>> -> memref<10240xf32, #tpu.memory_space<hbm>>
      %dma_wait3A_106 = tpu.memref_slice %arg4[%mul3A_102] : memref<1280000xf32, #tpu.memory_space<hbm>> -> memref<10240xf32, #tpu.memory_space<hbm>>
      %dma_wait3A_107 = arith.constant 0 : i32
      %dma_wait3A_108 = tpu.memref_slice %arg7[%dma_wait3A_107] : memref<20480xf32, #tpu.memory_space<vmem>> -> memref<10240xf32, #tpu.memory_space<vmem>>
      tpu.wait_dma2 semaphore(%arg11 : memref<!tpu.dma_semaphore, #tpu.memory_space<semaphore_mem>>) src(%dma_wait3A_108 : memref<10240xf32, #tpu.memory_space<vmem>>) dst(%dma_wait3A_106 : memref<10240xf32, #tpu.memory_space<hbm>>)
      %parallel_loop3A = arith.constant 0 : i32
      %parallel_loop3A_109 = arith.constant 160 : i32
      %parallel_loop3A_110 = arith.constant 1 : i32
      scf.for %parallel_loop3A_121 = %parallel_loop3A to %parallel_loop3A_109 step %parallel_loop3A_110  : i32 {
        %parallel_loop3A_122 = arith.constant 16 : i32
        %parallel_loop3A_123 = arith.muli %parallel_loop3A_121, %parallel_loop3A_122 : i32
        %parallel_loop3A_124 = arith.constant 0 : i32
        %parallel_loop3A_125 = arith.addi %parallel_loop3A_124, %parallel_loop3A_123 : i32
        %parallel_loop3A_126 = arith.index_cast %parallel_loop3A_125 : i32 to index
        %parallel_loop3A_127 = tpu.vector_load %arg6[%parallel_loop3A_126] {strides = array<i32>} : memref<10240xi32, #tpu.memory_space<vmem>>, vector<16xi32>,
        %parallel_loop3A_128 = arith.constant 16 : i32
        %parallel_loop3A_129 = arith.muli %parallel_loop3A_121, %parallel_loop3A_128 : i32
        %parallel_loop3A_130 = arith.constant 2560 : i32
        %parallel_loop3A_131 = arith.addi %parallel_loop3A_130, %parallel_loop3A_129 : i32
        %parallel_loop3A_132 = arith.index_cast %parallel_loop3A_131 : i32 to index
        %parallel_loop3A_133 = tpu.vector_load %arg6[%parallel_loop3A_132] {strides = array<i32>} : memref<10240xi32, #tpu.memory_space<vmem>>, vector<16xi32>,
        %parallel_loop3A_134 = arith.constant 8 : i32
        %parallel_loop3A_135 = arith.divsi %parallel_loop3A_121, %parallel_loop3A_134 : i32
        %parallel_loop3A_136 = arith.constant 0 : i32
        %parallel_loop3A_137 = arith.cmpi sgt, %parallel_loop3A_121, %parallel_loop3A_136 : i32
        %parallel_loop3A_138 = arith.extui %parallel_loop3A_137 : i1 to i32
        %parallel_loop3A_139 = arith.constant 0 : i32
        %parallel_loop3A_140 = arith.cmpi slt, %parallel_loop3A_121, %parallel_loop3A_139 : i32
        %parallel_loop3A_141 = arith.extui %parallel_loop3A_140 : i1 to i32
        %parallel_loop3A_142 = arith.subi %parallel_loop3A_138, %parallel_loop3A_141 : i32
        %parallel_loop3A_143 = arith.constant 0 : i32
        %parallel_loop3A_144 = arith.cmpi sgt, %parallel_loop3A_134, %parallel_loop3A_143 : i32
        %parallel_loop3A_145 = arith.extui %parallel_loop3A_144 : i1 to i32
        %parallel_loop3A_146 = arith.constant 0 : i32
        %parallel_loop3A_147 = arith.cmpi slt, %parallel_loop3A_134, %parallel_loop3A_146 : i32
        %parallel_loop3A_148 = arith.extui %parallel_loop3A_147 : i1 to i32
        %parallel_loop3A_149 = arith.subi %parallel_loop3A_145, %parallel_loop3A_148 : i32
        %parallel_loop3A_150 = arith.cmpi ne, %parallel_loop3A_142, %parallel_loop3A_149 : i32
        %parallel_loop3A_151 = arith.remsi %parallel_loop3A_121, %parallel_loop3A_134 : i32
        %parallel_loop3A_152 = arith.constant 0 : i32
        %parallel_loop3A_153 = arith.cmpi ne, %parallel_loop3A_151, %parallel_loop3A_152 : i32
        %parallel_loop3A_154 = arith.andi %parallel_loop3A_150, %parallel_loop3A_153 : i1
        %parallel_loop3A_155 = arith.constant 1 : i32
        %parallel_loop3A_156 = arith.subi %parallel_loop3A_135, %parallel_loop3A_155 : i32
        %parallel_loop3A_157 = arith.select %parallel_loop3A_154, %parallel_loop3A_156, %parallel_loop3A_135 : i32
        %parallel_loop3A_158 = arith.constant 512 : i32
        %parallel_loop3A_159 = arith.muli %parallel_loop3A_157, %parallel_loop3A_158 : i32
        %parallel_loop3A_160 = arith.constant 0 : i32
        %parallel_loop3A_161 = arith.addi %parallel_loop3A_160, %parallel_loop3A_159 : i32
        %parallel_loop3A_162 = arith.constant 8 : i32
        %parallel_loop3A_163 = arith.constant 0 : i32
        %parallel_loop3A_164 = arith.cmpi eq, %parallel_loop3A_162, %parallel_loop3A_163 : i32
        %parallel_loop3A_165 = arith.constant 1 : i32
        %parallel_loop3A_166 = arith.select %parallel_loop3A_164, %parallel_loop3A_165, %parallel_loop3A_162 : i32
        %parallel_loop3A_167 = arith.remsi %parallel_loop3A_121, %parallel_loop3A_166 : i32
        %parallel_loop3A_168 = arith.constant 0 : i32
        %parallel_loop3A_169 = arith.cmpi ne, %parallel_loop3A_167, %parallel_loop3A_168 : i32
        %parallel_loop3A_170 = arith.constant 0 : i32
        %parallel_loop3A_171 = arith.cmpi slt, %parallel_loop3A_167, %parallel_loop3A_170 : i32
        %parallel_loop3A_172 = arith.constant 0 : i32
        %parallel_loop3A_173 = arith.cmpi slt, %parallel_loop3A_166, %parallel_loop3A_172 : i32
        %parallel_loop3A_174 = arith.xori %parallel_loop3A_171, %parallel_loop3A_173 : i1
        %parallel_loop3A_175 = arith.andi %parallel_loop3A_174, %parallel_loop3A_169 : i1
        %parallel_loop3A_176 = arith.addi %parallel_loop3A_167, %parallel_loop3A_166 : i32
        %parallel_loop3A_177 = arith.select %parallel_loop3A_175, %parallel_loop3A_176, %parallel_loop3A_167 : i32
        %parallel_loop3A_178 = arith.constant 16 : i32
        %parallel_loop3A_179 = arith.muli %parallel_loop3A_177, %parallel_loop3A_178 : i32
        %parallel_loop3A_180 = arith.addi %parallel_loop3A_161, %parallel_loop3A_179 : i32
        %parallel_loop3A_181 = arith.constant 0 : i32
        %parallel_loop3A_182 = vector.broadcast %parallel_loop3A_181 : i32 to vector<16xi32>
        %parallel_loop3A_183 = arith.addi %parallel_loop3A_127, %parallel_loop3A_182 : vector<16xi32>
        %parallel_loop3A_184 = tpu.vector_load_idx %arg5[%parallel_loop3A_183] : memref<80000xf32, #tpu.memory_space<vmem>>[vector<16xi32>], vector<16xf32>,
        %parallel_loop3A_185 = arith.constant 40000 : i32
        %parallel_loop3A_186 = vector.broadcast %parallel_loop3A_185 : i32 to vector<16xi32>
        %parallel_loop3A_187 = arith.addi %parallel_loop3A_133, %parallel_loop3A_186 : vector<16xi32>
        %parallel_loop3A_188 = tpu.vector_load_idx %arg5[%parallel_loop3A_187] : memref<80000xf32, #tpu.memory_space<vmem>>[vector<16xi32>], vector<16xf32>,
        %parallel_loop3A_189 = arith.addf %parallel_loop3A_184, %parallel_loop3A_188 : vector<16xf32>
        %parallel_loop3A_190 = arith.constant 0.000000e+00 : f32
        %parallel_loop3A_191 = vector.broadcast %parallel_loop3A_190 : f32 to vector<16xf32>
        %parallel_loop3A_192 = arith.cmpf oge, %parallel_loop3A_189, %parallel_loop3A_191 : vector<16xf32>
        %parallel_loop3A_193 = arith.constant 0.00999999977 : f32
        %parallel_loop3A_194 = vector.broadcast %parallel_loop3A_193 : f32 to vector<16xf32>
        %parallel_loop3A_195 = arith.mulf %parallel_loop3A_189, %parallel_loop3A_194 : vector<16xf32>
        %parallel_loop3A_196 = arith.select %parallel_loop3A_192, %parallel_loop3A_189, %parallel_loop3A_195 : vector<16xi1>, vector<16xf32>
        %parallel_loop3A_197 = arith.constant 0 : i32
        %parallel_loop3A_198 = arith.addi %parallel_loop3A_180, %parallel_loop3A_197 : i32
        %parallel_loop3A_199 = arith.index_cast %parallel_loop3A_198 : i32 to index
        %parallel_loop3A_200 = tpu.vector_load %arg7[%parallel_loop3A_199] {strides = array<i32>} : memref<20480xf32, #tpu.memory_space<vmem>>, vector<16xf32>,
        tpu.vector_store %arg7[%parallel_loop3A_199], %parallel_loop3A_196 {strides = array<i32>} : memref<20480xf32, #tpu.memory_space<vmem>>, vector<16xf32>,
        %parallel_loop3A_201 = arith.constant 10000 : i32
        %parallel_loop3A_202 = vector.broadcast %parallel_loop3A_201 : i32 to vector<16xi32>
        %parallel_loop3A_203 = arith.addi %parallel_loop3A_127, %parallel_loop3A_202 : vector<16xi32>
        %parallel_loop3A_204 = tpu.vector_load_idx %arg5[%parallel_loop3A_203] : memref<80000xf32, #tpu.memory_space<vmem>>[vector<16xi32>], vector<16xf32>,
        %parallel_loop3A_205 = arith.constant 50000 : i32
        %parallel_loop3A_206 = vector.broadcast %parallel_loop3A_205 : i32 to vector<16xi32>
        %parallel_loop3A_207 = arith.addi %parallel_loop3A_133, %parallel_loop3A_206 : vector<16xi32>
        %parallel_loop3A_208 = tpu.vector_load_idx %arg5[%parallel_loop3A_207] : memref<80000xf32, #tpu.memory_space<vmem>>[vector<16xi32>], vector<16xf32>,
        %parallel_loop3A_209 = arith.addf %parallel_loop3A_204, %parallel_loop3A_208 : vector<16xf32>
        %parallel_loop3A_210 = arith.constant 0.000000e+00 : f32
        %parallel_loop3A_211 = vector.broadcast %parallel_loop3A_210 : f32 to vector<16xf32>
        %parallel_loop3A_212 = arith.cmpf oge, %parallel_loop3A_209, %parallel_loop3A_211 : vector<16xf32>
        %parallel_loop3A_213 = arith.constant 0.00999999977 : f32
        %parallel_loop3A_214 = vector.broadcast %parallel_loop3A_213 : f32 to vector<16xf32>
        %parallel_loop3A_215 = arith.mulf %parallel_loop3A_209, %parallel_loop3A_214 : vector<16xf32>
        %parallel_loop3A_216 = arith.select %parallel_loop3A_212, %parallel_loop3A_209, %parallel_loop3A_215 : vector<16xi1>, vector<16xf32>
        %parallel_loop3A_217 = arith.constant 128 : i32
        %parallel_loop3A_218 = arith.addi %parallel_loop3A_180, %parallel_loop3A_217 : i32
        %parallel_loop3A_219 = arith.index_cast %parallel_loop3A_218 : i32 to index
        %parallel_loop3A_220 = tpu.vector_load %arg7[%parallel_loop3A_219] {strides = array<i32>} : memref<20480xf32, #tpu.memory_space<vmem>>, vector<16xf32>,
        tpu.vector_store %arg7[%parallel_loop3A_219], %parallel_loop3A_216 {strides = array<i32>} : memref<20480xf32, #tpu.memory_space<vmem>>, vector<16xf32>,
        %parallel_loop3A_221 = arith.constant 20000 : i32
        %parallel_loop3A_222 = vector.broadcast %parallel_loop3A_221 : i32 to vector<16xi32>
        %parallel_loop3A_223 = arith.addi %parallel_loop3A_127, %parallel_loop3A_222 : vector<16xi32>
        %parallel_loop3A_224 = tpu.vector_load_idx %arg5[%parallel_loop3A_223] : memref<80000xf32, #tpu.memory_space<vmem>>[vector<16xi32>], vector<16xf32>,
        %parallel_loop3A_225 = arith.constant 60000 : i32
        %parallel_loop3A_226 = vector.broadcast %parallel_loop3A_225 : i32 to vector<16xi32>
        %parallel_loop3A_227 = arith.addi %parallel_loop3A_133, %parallel_loop3A_226 : vector<16xi32>
        %parallel_loop3A_228 = tpu.vector_load_idx %arg5[%parallel_loop3A_227] : memref<80000xf32, #tpu.memory_space<vmem>>[vector<16xi32>], vector<16xf32>,
        %parallel_loop3A_229 = arith.addf %parallel_loop3A_224, %parallel_loop3A_228 : vector<16xf32>
        %parallel_loop3A_230 = arith.constant 0.000000e+00 : f32
        %parallel_loop3A_231 = vector.broadcast %parallel_loop3A_230 : f32 to vector<16xf32>
        %parallel_loop3A_232 = arith.cmpf oge, %parallel_loop3A_229, %parallel_loop3A_231 : vector<16xf32>
        %parallel_loop3A_233 = arith.constant 0.00999999977 : f32
        %parallel_loop3A_234 = vector.broadcast %parallel_loop3A_233 : f32 to vector<16xf32>
        %parallel_loop3A_235 = arith.mulf %parallel_loop3A_229, %parallel_loop3A_234 : vector<16xf32>
        %parallel_loop3A_236 = arith.select %parallel_loop3A_232, %parallel_loop3A_229, %parallel_loop3A_235 : vector<16xi1>, vector<16xf32>
        %parallel_loop3A_237 = arith.constant 256 : i32
        %parallel_loop3A_238 = arith.addi %parallel_loop3A_180, %parallel_loop3A_237 : i32
        %parallel_loop3A_239 = arith.index_cast %parallel_loop3A_238 : i32 to index
        %parallel_loop3A_240 = tpu.vector_load %arg7[%parallel_loop3A_239] {strides = array<i32>} : memref<20480xf32, #tpu.memory_space<vmem>>, vector<16xf32>,
        tpu.vector_store %arg7[%parallel_loop3A_239], %parallel_loop3A_236 {strides = array<i32>} : memref<20480xf32, #tpu.memory_space<vmem>>, vector<16xf32>,
        %parallel_loop3A_241 = arith.constant 30000 : i32
        %parallel_loop3A_242 = vector.broadcast %parallel_loop3A_241 : i32 to vector<16xi32>
        %parallel_loop3A_243 = arith.addi %parallel_loop3A_127, %parallel_loop3A_242 : vector<16xi32>
        %parallel_loop3A_244 = tpu.vector_load_idx %arg5[%parallel_loop3A_243] : memref<80000xf32, #tpu.memory_space<vmem>>[vector<16xi32>], vector<16xf32>,
        %parallel_loop3A_245 = arith.constant 70000 : i32
        %parallel_loop3A_246 = vector.broadcast %parallel_loop3A_245 : i32 to vector<16xi32>
        %parallel_loop3A_247 = arith.addi %parallel_loop3A_133, %parallel_loop3A_246 : vector<16xi32>
        %parallel_loop3A_248 = tpu.vector_load_idx %arg5[%parallel_loop3A_247] : memref<80000xf32, #tpu.memory_space<vmem>>[vector<16xi32>], vector<16xf32>,
        %parallel_loop3A_249 = arith.addf %parallel_loop3A_244, %parallel_loop3A_248 : vector<16xf32>
        %parallel_loop3A_250 = arith.constant 0.000000e+00 : f32
        %parallel_loop3A_251 = vector.broadcast %parallel_loop3A_250 : f32 to vector<16xf32>
        %parallel_loop3A_252 = arith.cmpf oge, %parallel_loop3A_249, %parallel_loop3A_251 : vector<16xf32>
        %parallel_loop3A_253 = arith.constant 0.00999999977 : f32
        %parallel_loop3A_254 = vector.broadcast %parallel_loop3A_253 : f32 to vector<16xf32>
        %parallel_loop3A_255 = arith.mulf %parallel_loop3A_249, %parallel_loop3A_254 : vector<16xf32>
        %parallel_loop3A_256 = arith.select %parallel_loop3A_252, %parallel_loop3A_249, %parallel_loop3A_255 : vector<16xi1>, vector<16xf32>
        %parallel_loop3A_257 = arith.constant 384 : i32
        %parallel_loop3A_258 = arith.addi %parallel_loop3A_180, %parallel_loop3A_257 : i32
        %parallel_loop3A_259 = arith.index_cast %parallel_loop3A_258 : i32 to index
        %parallel_loop3A_260 = tpu.vector_load %arg7[%parallel_loop3A_259] {strides = array<i32>} : memref<20480xf32, #tpu.memory_space<vmem>>, vector<16xf32>,
        tpu.vector_store %arg7[%parallel_loop3A_259], %parallel_loop3A_256 {strides = array<i32>} : memref<20480xf32, #tpu.memory_space<vmem>>, vector<16xf32>,
      } {sc.loop_unroll_factor = 2 : i64, sc.parallel_access}
      %mul3A_111 = arith.constant 2560 : i32
      %mul3A_112 = arith.muli %add3A_28, %mul3A_111 : i32
      %mul3A_113 = arith.constant 4 : i32
      %mul3A_114 = arith.muli %mul3A_112, %mul3A_113 : i32
      %dma_start3A_115 = arith.constant 0 : i32
      %dma_start3A_116 = tpu.memref_slice %arg7[%dma_start3A_115] : memref<20480xf32, #tpu.memory_space<vmem>> -> memref<10240xf32, #tpu.memory_space<vmem>>
      %dma_start3A_117 = tpu.memref_slice %arg4[%mul3A_114] : memref<1280000xf32, #tpu.memory_space<hbm>> -> memref<10240xf32, #tpu.memory_space<hbm>>
      %dma_start3A_118 = tpu.memref_slice %arg4[%mul3A_114] : memref<1280000xf32, #tpu.memory_space<hbm>> -> memref<10240xf32, #tpu.memory_space<hbm>>
      %dma_start3A_119 = arith.constant 0 : i32
      %dma_start3A_120 = tpu.memref_slice %arg7[%dma_start3A_119] : memref<20480xf32, #tpu.memory_space<vmem>> -> memref<10240xf32, #tpu.memory_space<vmem>>
      tpu.enqueue_dma source(%dma_start3A_120 : memref<10240xf32, #tpu.memory_space<vmem>>) target(%dma_start3A_118 : memref<10240xf32, #tpu.memory_space<hbm>>) target_semaphore(%arg11 : memref<!tpu.dma_semaphore, #tpu.memory_space<semaphore_mem>>)
    } else {
    }
    %add3A_34 = arith.constant 96 : i32
    %add3A_35 = arith.addi %add3A_34, %add3A : i32
    %lt3A_36 = arith.constant 125 : i32
    %lt3A_37 = arith.cmpi slt, %add3A_35, %lt3A_36 : i32
    %convert_element_type3A_38 = arith.extui %lt3A_37 : i1 to i32
    %cond3A_39 = arith.constant 0 : i32
    %cond3A_40 = arith.cmpi ne, %convert_element_type3A_38, %cond3A_39 : i32
    scf.if %cond3A_40 {
      %mul3A_75 = arith.constant 2560 : i32
      %mul3A_76 = arith.muli %add3A_35, %mul3A_75 : i32
      %add3A_77 = arith.constant 320000 : i32
      %add3A_78 = arith.addi %add3A_77, %mul3A_76 : i32
      %dma_wait3A = arith.constant 5120 : i32
      %dma_wait3A_79 = tpu.memref_slice %arg6[%dma_wait3A] : memref<10240xi32, #tpu.memory_space<vmem>> -> memref<2560xi32, #tpu.memory_space<vmem>>
      %dma_wait3A_80 = tpu.memref_slice %arg3[%mul3A_76] : memref<640000xi32, #tpu.memory_space<hbm>> -> memref<2560xi32, #tpu.memory_space<hbm>>
      %dma_wait3A_81 = arith.constant 5120 : i32
      %dma_wait3A_82 = tpu.memref_slice %arg6[%dma_wait3A_81] : memref<10240xi32, #tpu.memory_space<vmem>> -> memref<2560xi32, #tpu.memory_space<vmem>>
      %dma_wait3A_83 = tpu.memref_slice %arg3[%mul3A_76] : memref<640000xi32, #tpu.memory_space<hbm>> -> memref<2560xi32, #tpu.memory_space<hbm>>
      tpu.wait_dma2 semaphore(%arg10 : memref<!tpu.dma_semaphore, #tpu.memory_space<semaphore_mem>>) src(%dma_wait3A_83 : memref<2560xi32, #tpu.memory_space<hbm>>) dst(%dma_wait3A_82 : memref<2560xi32, #tpu.memory_space<vmem>>)
      %dma_wait3A_84 = arith.constant 7680 : i32
      %dma_wait3A_85 = tpu.memref_slice %arg6[%dma_wait3A_84] : memref<10240xi32, #tpu.memory_space<vmem>> -> memref<2560xi32, #tpu.memory_space<vmem>>
      %dma_wait3A_86 = tpu.memref_slice %arg3[%add3A_78] : memref<640000xi32, #tpu.memory_space<hbm>> -> memref<2560xi32, #tpu.memory_space<hbm>>
      %dma_wait3A_87 = arith.constant 7680 : i32
      %dma_wait3A_88 = tpu.memref_slice %arg6[%dma_wait3A_87] : memref<10240xi32, #tpu.memory_space<vmem>> -> memref<2560xi32, #tpu.memory_space<vmem>>
      %dma_wait3A_89 = tpu.memref_slice %arg3[%add3A_78] : memref<640000xi32, #tpu.memory_space<hbm>> -> memref<2560xi32, #tpu.memory_space<hbm>>
      tpu.wait_dma2 semaphore(%arg10 : memref<!tpu.dma_semaphore, #tpu.memory_space<semaphore_mem>>) src(%dma_wait3A_89 : memref<2560xi32, #tpu.memory_space<hbm>>) dst(%dma_wait3A_88 : memref<2560xi32, #tpu.memory_space<vmem>>)
      %add3A_90 = arith.constant 32 : i32
      %add3A_91 = arith.addi %add3A_90, %add3A : i32
      %mul3A_92 = arith.constant 2560 : i32
      %mul3A_93 = arith.muli %add3A_91, %mul3A_92 : i32
      %mul3A_94 = arith.constant 4 : i32
      %mul3A_95 = arith.muli %mul3A_93, %mul3A_94 : i32
      %dma_wait3A_96 = arith.constant 10240 : i32
      %dma_wait3A_97 = tpu.memref_slice %arg7[%dma_wait3A_96] : memref<20480xf32, #tpu.memory_space<vmem>> -> memref<10240xf32, #tpu.memory_space<vmem>>
      %dma_wait3A_98 = tpu.memref_slice %arg4[%mul3A_95] : memref<1280000xf32, #tpu.memory_space<hbm>> -> memref<10240xf32, #tpu.memory_space<hbm>>
      %dma_wait3A_99 = tpu.memref_slice %arg4[%mul3A_95] : memref<1280000xf32, #tpu.memory_space<hbm>> -> memref<10240xf32, #tpu.memory_space<hbm>>
      %dma_wait3A_100 = arith.constant 10240 : i32
      %dma_wait3A_101 = tpu.memref_slice %arg7[%dma_wait3A_100] : memref<20480xf32, #tpu.memory_space<vmem>> -> memref<10240xf32, #tpu.memory_space<vmem>>
      tpu.wait_dma2 semaphore(%arg12 : memref<!tpu.dma_semaphore, #tpu.memory_space<semaphore_mem>>) src(%dma_wait3A_101 : memref<10240xf32, #tpu.memory_space<vmem>>) dst(%dma_wait3A_99 : memref<10240xf32, #tpu.memory_space<hbm>>)
      %parallel_loop3A = arith.constant 0 : i32
      %parallel_loop3A_102 = arith.constant 160 : i32
      %parallel_loop3A_103 = arith.constant 1 : i32
      scf.for %parallel_loop3A_114 = %parallel_loop3A to %parallel_loop3A_102 step %parallel_loop3A_103  : i32 {
        %parallel_loop3A_115 = arith.constant 16 : i32
        %parallel_loop3A_116 = arith.muli %parallel_loop3A_114, %parallel_loop3A_115 : i32
        %parallel_loop3A_117 = arith.constant 5120 : i32
        %parallel_loop3A_118 = arith.addi %parallel_loop3A_117, %parallel_loop3A_116 : i32
        %parallel_loop3A_119 = arith.index_cast %parallel_loop3A_118 : i32 to index
        %parallel_loop3A_120 = tpu.vector_load %arg6[%parallel_loop3A_119] {strides = array<i32>} : memref<10240xi32, #tpu.memory_space<vmem>>, vector<16xi32>,
        %parallel_loop3A_121 = arith.constant 16 : i32
        %parallel_loop3A_122 = arith.muli %parallel_loop3A_114, %parallel_loop3A_121 : i32
        %parallel_loop3A_123 = arith.constant 7680 : i32
        %parallel_loop3A_124 = arith.addi %parallel_loop3A_123, %parallel_loop3A_122 : i32
        %parallel_loop3A_125 = arith.index_cast %parallel_loop3A_124 : i32 to index
        %parallel_loop3A_126 = tpu.vector_load %arg6[%parallel_loop3A_125] {strides = array<i32>} : memref<10240xi32, #tpu.memory_space<vmem>>, vector<16xi32>,
        %parallel_loop3A_127 = arith.constant 8 : i32
        %parallel_loop3A_128 = arith.divsi %parallel_loop3A_114, %parallel_loop3A_127 : i32
        %parallel_loop3A_129 = arith.constant 0 : i32
        %parallel_loop3A_130 = arith.cmpi sgt, %parallel_loop3A_114, %parallel_loop3A_129 : i32
        %parallel_loop3A_131 = arith.extui %parallel_loop3A_130 : i1 to i32
        %parallel_loop3A_132 = arith.constant 0 : i32
        %parallel_loop3A_133 = arith.cmpi slt, %parallel_loop3A_114, %parallel_loop3A_132 : i32
        %parallel_loop3A_134 = arith.extui %parallel_loop3A_133 : i1 to i32
        %parallel_loop3A_135 = arith.subi %parallel_loop3A_131, %parallel_loop3A_134 : i32
        %parallel_loop3A_136 = arith.constant 0 : i32
        %parallel_loop3A_137 = arith.cmpi sgt, %parallel_loop3A_127, %parallel_loop3A_136 : i32
        %parallel_loop3A_138 = arith.extui %parallel_loop3A_137 : i1 to i32
        %parallel_loop3A_139 = arith.constant 0 : i32
        %parallel_loop3A_140 = arith.cmpi slt, %parallel_loop3A_127, %parallel_loop3A_139 : i32
        %parallel_loop3A_141 = arith.extui %parallel_loop3A_140 : i1 to i32
        %parallel_loop3A_142 = arith.subi %parallel_loop3A_138, %parallel_loop3A_141 : i32
        %parallel_loop3A_143 = arith.cmpi ne, %parallel_loop3A_135, %parallel_loop3A_142 : i32
        %parallel_loop3A_144 = arith.remsi %parallel_loop3A_114, %parallel_loop3A_127 : i32
        %parallel_loop3A_145 = arith.constant 0 : i32
        %parallel_loop3A_146 = arith.cmpi ne, %parallel_loop3A_144, %parallel_loop3A_145 : i32
        %parallel_loop3A_147 = arith.andi %parallel_loop3A_143, %parallel_loop3A_146 : i1
        %parallel_loop3A_148 = arith.constant 1 : i32
        %parallel_loop3A_149 = arith.subi %parallel_loop3A_128, %parallel_loop3A_148 : i32
        %parallel_loop3A_150 = arith.select %parallel_loop3A_147, %parallel_loop3A_149, %parallel_loop3A_128 : i32
        %parallel_loop3A_151 = arith.constant 512 : i32
        %parallel_loop3A_152 = arith.muli %parallel_loop3A_150, %parallel_loop3A_151 : i32
        %parallel_loop3A_153 = arith.constant 10240 : i32
        %parallel_loop3A_154 = arith.addi %parallel_loop3A_153, %parallel_loop3A_152 : i32
        %parallel_loop3A_155 = arith.constant 8 : i32
        %parallel_loop3A_156 = arith.constant 0 : i32
        %parallel_loop3A_157 = arith.cmpi eq, %parallel_loop3A_155, %parallel_loop3A_156 : i32
        %parallel_loop3A_158 = arith.constant 1 : i32
        %parallel_loop3A_159 = arith.select %parallel_loop3A_157, %parallel_loop3A_158, %parallel_loop3A_155 : i32
        %parallel_loop3A_160 = arith.remsi %parallel_loop3A_114, %parallel_loop3A_159 : i32
        %parallel_loop3A_161 = arith.constant 0 : i32
        %parallel_loop3A_162 = arith.cmpi ne, %parallel_loop3A_160, %parallel_loop3A_161 : i32
        %parallel_loop3A_163 = arith.constant 0 : i32
        %parallel_loop3A_164 = arith.cmpi slt, %parallel_loop3A_160, %parallel_loop3A_163 : i32
        %parallel_loop3A_165 = arith.constant 0 : i32
        %parallel_loop3A_166 = arith.cmpi slt, %parallel_loop3A_159, %parallel_loop3A_165 : i32
        %parallel_loop3A_167 = arith.xori %parallel_loop3A_164, %parallel_loop3A_166 : i1
        %parallel_loop3A_168 = arith.andi %parallel_loop3A_167, %parallel_loop3A_162 : i1
        %parallel_loop3A_169 = arith.addi %parallel_loop3A_160, %parallel_loop3A_159 : i32
        %parallel_loop3A_170 = arith.select %parallel_loop3A_168, %parallel_loop3A_169, %parallel_loop3A_160 : i32
        %parallel_loop3A_171 = arith.constant 16 : i32
        %parallel_loop3A_172 = arith.muli %parallel_loop3A_170, %parallel_loop3A_171 : i32
        %parallel_loop3A_173 = arith.addi %parallel_loop3A_154, %parallel_loop3A_172 : i32
        %parallel_loop3A_174 = arith.constant 0 : i32
        %parallel_loop3A_175 = vector.broadcast %parallel_loop3A_174 : i32 to vector<16xi32>
        %parallel_loop3A_176 = arith.addi %parallel_loop3A_120, %parallel_loop3A_175 : vector<16xi32>
        %parallel_loop3A_177 = tpu.vector_load_idx %arg5[%parallel_loop3A_176] : memref<80000xf32, #tpu.memory_space<vmem>>[vector<16xi32>], vector<16xf32>,
        %parallel_loop3A_178 = arith.constant 40000 : i32
        %parallel_loop3A_179 = vector.broadcast %parallel_loop3A_178 : i32 to vector<16xi32>
        %parallel_loop3A_180 = arith.addi %parallel_loop3A_126, %parallel_loop3A_179 : vector<16xi32>
        %parallel_loop3A_181 = tpu.vector_load_idx %arg5[%parallel_loop3A_180] : memref<80000xf32, #tpu.memory_space<vmem>>[vector<16xi32>], vector<16xf32>,
        %parallel_loop3A_182 = arith.addf %parallel_loop3A_177, %parallel_loop3A_181 : vector<16xf32>
        %parallel_loop3A_183 = arith.constant 0.000000e+00 : f32
        %parallel_loop3A_184 = vector.broadcast %parallel_loop3A_183 : f32 to vector<16xf32>
        %parallel_loop3A_185 = arith.cmpf oge, %parallel_loop3A_182, %parallel_loop3A_184 : vector<16xf32>
        %parallel_loop3A_186 = arith.constant 0.00999999977 : f32
        %parallel_loop3A_187 = vector.broadcast %parallel_loop3A_186 : f32 to vector<16xf32>
        %parallel_loop3A_188 = arith.mulf %parallel_loop3A_182, %parallel_loop3A_187 : vector<16xf32>
        %parallel_loop3A_189 = arith.select %parallel_loop3A_185, %parallel_loop3A_182, %parallel_loop3A_188 : vector<16xi1>, vector<16xf32>
        %parallel_loop3A_190 = arith.constant 0 : i32
        %parallel_loop3A_191 = arith.addi %parallel_loop3A_173, %parallel_loop3A_190 : i32
        %parallel_loop3A_192 = arith.index_cast %parallel_loop3A_191 : i32 to index
        %parallel_loop3A_193 = tpu.vector_load %arg7[%parallel_loop3A_192] {strides = array<i32>} : memref<20480xf32, #tpu.memory_space<vmem>>, vector<16xf32>,
        tpu.vector_store %arg7[%parallel_loop3A_192], %parallel_loop3A_189 {strides = array<i32>} : memref<20480xf32, #tpu.memory_space<vmem>>, vector<16xf32>,
        %parallel_loop3A_194 = arith.constant 10000 : i32
        %parallel_loop3A_195 = vector.broadcast %parallel_loop3A_194 : i32 to vector<16xi32>
        %parallel_loop3A_196 = arith.addi %parallel_loop3A_120, %parallel_loop3A_195 : vector<16xi32>
        %parallel_loop3A_197 = tpu.vector_load_idx %arg5[%parallel_loop3A_196] : memref<80000xf32, #tpu.memory_space<vmem>>[vector<16xi32>], vector<16xf32>,
        %parallel_loop3A_198 = arith.constant 50000 : i32
        %parallel_loop3A_199 = vector.broadcast %parallel_loop3A_198 : i32 to vector<16xi32>
        %parallel_loop3A_200 = arith.addi %parallel_loop3A_126, %parallel_loop3A_199 : vector<16xi32>
        %parallel_loop3A_201 = tpu.vector_load_idx %arg5[%parallel_loop3A_200] : memref<80000xf32, #tpu.memory_space<vmem>>[vector<16xi32>], vector<16xf32>,
        %parallel_loop3A_202 = arith.addf %parallel_loop3A_197, %parallel_loop3A_201 : vector<16xf32>
        %parallel_loop3A_203 = arith.constant 0.000000e+00 : f32
        %parallel_loop3A_204 = vector.broadcast %parallel_loop3A_203 : f32 to vector<16xf32>
        %parallel_loop3A_205 = arith.cmpf oge, %parallel_loop3A_202, %parallel_loop3A_204 : vector<16xf32>
        %parallel_loop3A_206 = arith.constant 0.00999999977 : f32
        %parallel_loop3A_207 = vector.broadcast %parallel_loop3A_206 : f32 to vector<16xf32>
        %parallel_loop3A_208 = arith.mulf %parallel_loop3A_202, %parallel_loop3A_207 : vector<16xf32>
        %parallel_loop3A_209 = arith.select %parallel_loop3A_205, %parallel_loop3A_202, %parallel_loop3A_208 : vector<16xi1>, vector<16xf32>
        %parallel_loop3A_210 = arith.constant 128 : i32
        %parallel_loop3A_211 = arith.addi %parallel_loop3A_173, %parallel_loop3A_210 : i32
        %parallel_loop3A_212 = arith.index_cast %parallel_loop3A_211 : i32 to index
        %parallel_loop3A_213 = tpu.vector_load %arg7[%parallel_loop3A_212] {strides = array<i32>} : memref<20480xf32, #tpu.memory_space<vmem>>, vector<16xf32>,
        tpu.vector_store %arg7[%parallel_loop3A_212], %parallel_loop3A_209 {strides = array<i32>} : memref<20480xf32, #tpu.memory_space<vmem>>, vector<16xf32>,
        %parallel_loop3A_214 = arith.constant 20000 : i32
        %parallel_loop3A_215 = vector.broadcast %parallel_loop3A_214 : i32 to vector<16xi32>
        %parallel_loop3A_216 = arith.addi %parallel_loop3A_120, %parallel_loop3A_215 : vector<16xi32>
        %parallel_loop3A_217 = tpu.vector_load_idx %arg5[%parallel_loop3A_216] : memref<80000xf32, #tpu.memory_space<vmem>>[vector<16xi32>], vector<16xf32>,
        %parallel_loop3A_218 = arith.constant 60000 : i32
        %parallel_loop3A_219 = vector.broadcast %parallel_loop3A_218 : i32 to vector<16xi32>
        %parallel_loop3A_220 = arith.addi %parallel_loop3A_126, %parallel_loop3A_219 : vector<16xi32>
        %parallel_loop3A_221 = tpu.vector_load_idx %arg5[%parallel_loop3A_220] : memref<80000xf32, #tpu.memory_space<vmem>>[vector<16xi32>], vector<16xf32>,
        %parallel_loop3A_222 = arith.addf %parallel_loop3A_217, %parallel_loop3A_221 : vector<16xf32>
        %parallel_loop3A_223 = arith.constant 0.000000e+00 : f32
        %parallel_loop3A_224 = vector.broadcast %parallel_loop3A_223 : f32 to vector<16xf32>
        %parallel_loop3A_225 = arith.cmpf oge, %parallel_loop3A_222, %parallel_loop3A_224 : vector<16xf32>
        %parallel_loop3A_226 = arith.constant 0.00999999977 : f32
        %parallel_loop3A_227 = vector.broadcast %parallel_loop3A_226 : f32 to vector<16xf32>
        %parallel_loop3A_228 = arith.mulf %parallel_loop3A_222, %parallel_loop3A_227 : vector<16xf32>
        %parallel_loop3A_229 = arith.select %parallel_loop3A_225, %parallel_loop3A_222, %parallel_loop3A_228 : vector<16xi1>, vector<16xf32>
        %parallel_loop3A_230 = arith.constant 256 : i32
        %parallel_loop3A_231 = arith.addi %parallel_loop3A_173, %parallel_loop3A_230 : i32
        %parallel_loop3A_232 = arith.index_cast %parallel_loop3A_231 : i32 to index
        %parallel_loop3A_233 = tpu.vector_load %arg7[%parallel_loop3A_232] {strides = array<i32>} : memref<20480xf32, #tpu.memory_space<vmem>>, vector<16xf32>,
        tpu.vector_store %arg7[%parallel_loop3A_232], %parallel_loop3A_229 {strides = array<i32>} : memref<20480xf32, #tpu.memory_space<vmem>>, vector<16xf32>,
        %parallel_loop3A_234 = arith.constant 30000 : i32
        %parallel_loop3A_235 = vector.broadcast %parallel_loop3A_234 : i32 to vector<16xi32>
        %parallel_loop3A_236 = arith.addi %parallel_loop3A_120, %parallel_loop3A_235 : vector<16xi32>
        %parallel_loop3A_237 = tpu.vector_load_idx %arg5[%parallel_loop3A_236] : memref<80000xf32, #tpu.memory_space<vmem>>[vector<16xi32>], vector<16xf32>,
        %parallel_loop3A_238 = arith.constant 70000 : i32
        %parallel_loop3A_239 = vector.broadcast %parallel_loop3A_238 : i32 to vector<16xi32>
        %parallel_loop3A_240 = arith.addi %parallel_loop3A_126, %parallel_loop3A_239 : vector<16xi32>
        %parallel_loop3A_241 = tpu.vector_load_idx %arg5[%parallel_loop3A_240] : memref<80000xf32, #tpu.memory_space<vmem>>[vector<16xi32>], vector<16xf32>,
        %parallel_loop3A_242 = arith.addf %parallel_loop3A_237, %parallel_loop3A_241 : vector<16xf32>
        %parallel_loop3A_243 = arith.constant 0.000000e+00 : f32
        %parallel_loop3A_244 = vector.broadcast %parallel_loop3A_243 : f32 to vector<16xf32>
        %parallel_loop3A_245 = arith.cmpf oge, %parallel_loop3A_242, %parallel_loop3A_244 : vector<16xf32>
        %parallel_loop3A_246 = arith.constant 0.00999999977 : f32
        %parallel_loop3A_247 = vector.broadcast %parallel_loop3A_246 : f32 to vector<16xf32>
        %parallel_loop3A_248 = arith.mulf %parallel_loop3A_242, %parallel_loop3A_247 : vector<16xf32>
        %parallel_loop3A_249 = arith.select %parallel_loop3A_245, %parallel_loop3A_242, %parallel_loop3A_248 : vector<16xi1>, vector<16xf32>
        %parallel_loop3A_250 = arith.constant 384 : i32
        %parallel_loop3A_251 = arith.addi %parallel_loop3A_173, %parallel_loop3A_250 : i32
        %parallel_loop3A_252 = arith.index_cast %parallel_loop3A_251 : i32 to index
        %parallel_loop3A_253 = tpu.vector_load %arg7[%parallel_loop3A_252] {strides = array<i32>} : memref<20480xf32, #tpu.memory_space<vmem>>, vector<16xf32>,
        tpu.vector_store %arg7[%parallel_loop3A_252], %parallel_loop3A_249 {strides = array<i32>} : memref<20480xf32, #tpu.memory_space<vmem>>, vector<16xf32>,
      } {sc.loop_unroll_factor = 2 : i64, sc.parallel_access}
      %mul3A_104 = arith.constant 2560 : i32
      %mul3A_105 = arith.muli %add3A_35, %mul3A_104 : i32
      %mul3A_106 = arith.constant 4 : i32
      %mul3A_107 = arith.muli %mul3A_105, %mul3A_106 : i32
      %dma_start3A_108 = arith.constant 10240 : i32
      %dma_start3A_109 = tpu.memref_slice %arg7[%dma_start3A_108] : memref<20480xf32, #tpu.memory_space<vmem>> -> memref<10240xf32, #tpu.memory_space<vmem>>
      %dma_start3A_110 = tpu.memref_slice %arg4[%mul3A_107] : memref<1280000xf32, #tpu.memory_space<hbm>> -> memref<10240xf32, #tpu.memory_space<hbm>>
      %dma_start3A_111 = tpu.memref_slice %arg4[%mul3A_107] : memref<1280000xf32, #tpu.memory_space<hbm>> -> memref<10240xf32, #tpu.memory_space<hbm>>
      %dma_start3A_112 = arith.constant 10240 : i32
      %dma_start3A_113 = tpu.memref_slice %arg7[%dma_start3A_112] : memref<20480xf32, #tpu.memory_space<vmem>> -> memref<10240xf32, #tpu.memory_space<vmem>>
      tpu.enqueue_dma source(%dma_start3A_113 : memref<10240xf32, #tpu.memory_space<vmem>>) target(%dma_start3A_111 : memref<10240xf32, #tpu.memory_space<hbm>>) target_semaphore(%arg12 : memref<!tpu.dma_semaphore, #tpu.memory_space<semaphore_mem>>)
    } else {
    }
    %add3A_41 = arith.constant 32 : i32
    %add3A_42 = arith.addi %add3A_41, %add3A : i32
    %lt3A_43 = arith.constant 125 : i32
    %lt3A_44 = arith.cmpi slt, %add3A_42, %lt3A_43 : i32
    %add3A_45 = arith.constant 64 : i32
    %add3A_46 = arith.addi %add3A_42, %add3A_45 : i32
    %ge3A = arith.constant 125 : i32
    %ge3A_47 = arith.cmpi sge, %add3A_46, %ge3A : i32
    %and3A = arith.andi %lt3A_44, %ge3A_47 : i1
    %convert_element_type3A_48 = arith.extui %and3A : i1 to i32
    %cond3A_49 = arith.constant 0 : i32
    %cond3A_50 = arith.cmpi ne, %convert_element_type3A_48, %cond3A_49 : i32
    scf.if %cond3A_50 {
      %mul3A_75 = arith.constant 2560 : i32
      %mul3A_76 = arith.muli %add3A_42, %mul3A_75 : i32
      %mul3A_77 = arith.constant 4 : i32
      %mul3A_78 = arith.muli %mul3A_76, %mul3A_77 : i32
      %dma_wait3A = arith.constant 10240 : i32
      %dma_wait3A_79 = tpu.memref_slice %arg7[%dma_wait3A] : memref<20480xf32, #tpu.memory_space<vmem>> -> memref<10240xf32, #tpu.memory_space<vmem>>
      %dma_wait3A_80 = tpu.memref_slice %arg4[%mul3A_78] : memref<1280000xf32, #tpu.memory_space<hbm>> -> memref<10240xf32, #tpu.memory_space<hbm>>
      %dma_wait3A_81 = tpu.memref_slice %arg4[%mul3A_78] : memref<1280000xf32, #tpu.memory_space<hbm>> -> memref<10240xf32, #tpu.memory_space<hbm>>
      %dma_wait3A_82 = arith.constant 10240 : i32
      %dma_wait3A_83 = tpu.memref_slice %arg7[%dma_wait3A_82] : memref<20480xf32, #tpu.memory_space<vmem>> -> memref<10240xf32, #tpu.memory_space<vmem>>
      tpu.wait_dma2 semaphore(%arg12 : memref<!tpu.dma_semaphore, #tpu.memory_space<semaphore_mem>>) src(%dma_wait3A_83 : memref<10240xf32, #tpu.memory_space<vmem>>) dst(%dma_wait3A_81 : memref<10240xf32, #tpu.memory_space<hbm>>)
    } else {
    }
    %add3A_51 = arith.constant 64 : i32
    %add3A_52 = arith.addi %add3A_51, %add3A : i32
    %lt3A_53 = arith.constant 125 : i32
    %lt3A_54 = arith.cmpi slt, %add3A_52, %lt3A_53 : i32
    %add3A_55 = arith.constant 64 : i32
    %add3A_56 = arith.addi %add3A_52, %add3A_55 : i32
    %ge3A_57 = arith.constant 125 : i32
    %ge3A_58 = arith.cmpi sge, %add3A_56, %ge3A_57 : i32
    %and3A_59 = arith.andi %lt3A_54, %ge3A_58 : i1
    %convert_element_type3A_60 = arith.extui %and3A_59 : i1 to i32
    %cond3A_61 = arith.constant 0 : i32
    %cond3A_62 = arith.cmpi ne, %convert_element_type3A_60, %cond3A_61 : i32
    scf.if %cond3A_62 {
      %mul3A_75 = arith.constant 2560 : i32
      %mul3A_76 = arith.muli %add3A_52, %mul3A_75 : i32
      %mul3A_77 = arith.constant 4 : i32
      %mul3A_78 = arith.muli %mul3A_76, %mul3A_77 : i32
      %dma_wait3A = arith.constant 0 : i32
      %dma_wait3A_79 = tpu.memref_slice %arg7[%dma_wait3A] : memref<20480xf32, #tpu.memory_space<vmem>> -> memref<10240xf32, #tpu.memory_space<vmem>>
      %dma_wait3A_80 = tpu.memref_slice %arg4[%mul3A_78] : memref<1280000xf32, #tpu.memory_space<hbm>> -> memref<10240xf32, #tpu.memory_space<hbm>>
      %dma_wait3A_81 = tpu.memref_slice %arg4[%mul3A_78] : memref<1280000xf32, #tpu.memory_space<hbm>> -> memref<10240xf32, #tpu.memory_space<hbm>>
      %dma_wait3A_82 = arith.constant 0 : i32
      %dma_wait3A_83 = tpu.memref_slice %arg7[%dma_wait3A_82] : memref<20480xf32, #tpu.memory_space<vmem>> -> memref<10240xf32, #tpu.memory_space<vmem>>
      tpu.wait_dma2 semaphore(%arg11 : memref<!tpu.dma_semaphore, #tpu.memory_space<semaphore_mem>>) src(%dma_wait3A_83 : memref<10240xf32, #tpu.memory_space<vmem>>) dst(%dma_wait3A_81 : memref<10240xf32, #tpu.memory_space<hbm>>)
    } else {
    }
    %add3A_63 = arith.constant 96 : i32
    %add3A_64 = arith.addi %add3A_63, %add3A : i32
    %lt3A_65 = arith.constant 125 : i32
    %lt3A_66 = arith.cmpi slt, %add3A_64, %lt3A_65 : i32
    %add3A_67 = arith.constant 64 : i32
    %add3A_68 = arith.addi %add3A_64, %add3A_67 : i32
    %ge3A_69 = arith.constant 125 : i32
    %ge3A_70 = arith.cmpi sge, %add3A_68, %ge3A_69 : i32
    %and3A_71 = arith.andi %lt3A_66, %ge3A_70 : i1
    %convert_element_type3A_72 = arith.extui %and3A_71 : i1 to i32
    %cond3A_73 = arith.constant 0 : i32
    %cond3A_74 = arith.cmpi ne, %convert_element_type3A_72, %cond3A_73 : i32
    scf.if %cond3A_74 {
      %mul3A_75 = arith.constant 2560 : i32
      %mul3A_76 = arith.muli %add3A_64, %mul3A_75 : i32
      %mul3A_77 = arith.constant 4 : i32
      %mul3A_78 = arith.muli %mul3A_76, %mul3A_77 : i32
      %dma_wait3A = arith.constant 10240 : i32
      %dma_wait3A_79 = tpu.memref_slice %arg7[%dma_wait3A] : memref<20480xf32, #tpu.memory_space<vmem>> -> memref<10240xf32, #tpu.memory_space<vmem>>
      %dma_wait3A_80 = tpu.memref_slice %arg4[%mul3A_78] : memref<1280000xf32, #tpu.memory_space<hbm>> -> memref<10240xf32, #tpu.memory_space<hbm>>
      %dma_wait3A_81 = tpu.memref_slice %arg4[%mul3A_78] : memref<1280000xf32, #tpu.memory_space<hbm>> -> memref<10240xf32, #tpu.memory_space<hbm>>
      %dma_wait3A_82 = arith.constant 10240 : i32
      %dma_wait3A_83 = tpu.memref_slice %arg7[%dma_wait3A_82] : memref<20480xf32, #tpu.memory_space<vmem>> -> memref<10240xf32, #tpu.memory_space<vmem>>
      tpu.wait_dma2 semaphore(%arg12 : memref<!tpu.dma_semaphore, #tpu.memory_space<semaphore_mem>>) src(%dma_wait3A_83 : memref<10240xf32, #tpu.memory_space<vmem>>) dst(%dma_wait3A_81 : memref<10240xf32, #tpu.memory_space<hbm>>)
    } else {
    }
    return
  }
}

module attributes {stable_mosaic.version = 14 : i64} {
  func.func @_alpha_body(%arg0: i32, %arg1: memref<10000x128xf32, #tpu.memory_space<vmem>>, %arg2: memref<128x128xf32, #tpu.memory_space<vmem>>, %arg3: memref<1x128xf32, #tpu.memory_space<vmem>>, %arg4: memref<1x4x32xf32, #tpu.memory_space<vmem>>, %arg5: memref<1x4x32xf32, #tpu.memory_space<vmem>>, %arg6: memref<8x10000xf32, #tpu.memory_space<vmem>>, %arg7: memref<128x8xf32, #tpu.memory_space<vmem>>, %arg8: memref<8x1xf32, #tpu.memory_space<vmem>>) attributes {dimension_semantics = [#tpu.dimension_semantics<arbitrary>], iteration_bounds = array<i64: 1>, scalar_prefetch = 0 : i64, scratch_operands = 2 : i64, tpu.core_type = #tpu.core_type<tc>, window_params = [{transform_indices = @transform_0, window_bounds = array<i64: 10000, 128>}, {pipeline_mode = #tpu.pipeline_mode<synchronous>, transform_indices = @transform_1, window_bounds = array<i64: 128, 128>}, {pipeline_mode = #tpu.pipeline_mode<synchronous>, transform_indices = @transform_2, window_bounds = array<i64: 1, 128>}, {pipeline_mode = #tpu.pipeline_mode<synchronous>, transform_indices = @transform_3, window_bounds = array<i64: 1, 4, 32>}, {pipeline_mode = #tpu.pipeline_mode<synchronous>, transform_indices = @transform_4, window_bounds = array<i64: 1, 4, 32>}, {transform_indices = @transform_5, window_bounds = array<i64: 8, 10000>}]} {
    %eq3A = arith.constant 0 : i32
    %eq3A_0 = arith.cmpi eq, %arg0, %eq3A : i32
    %convert_element_type3A = arith.extui %eq3A_0 : i1 to i32
    %cond3A = arith.constant 0 : i32
    %cond3A_1 = arith.cmpi ne, %convert_element_type3A, %cond3A : i32
    scf.if %cond3A_1 {
      %iota3A = tpu.iota {dimensions = array<i32: 0>} : vector<8x128xi32>
      %iota3A_14 = tpu.iota {dimensions = array<i32: 1>} : vector<8x128xi32>
      %get3A_15 = arith.constant 0 : index
      %get3A_16 = arith.constant 0 : index
      %get3A_17 = arith.constant 0 : index
      %get3A_18 = vector.load %arg4[%get3A_15, %get3A_16, %get3A_17] : memref<1x4x32xf32, #tpu.memory_space<vmem>>, vector<1x4x32xf32>
      %reshape3A = vector.shape_cast %get3A_18 : vector<1x4x32xf32> to vector<1x128xf32>
      %get3A_19 = arith.constant 0 : index
      %get3A_20 = arith.constant 0 : index
      %get3A_21 = arith.constant 0 : index
      %get3A_22 = vector.load %arg5[%get3A_19, %get3A_20, %get3A_21] : memref<1x4x32xf32, #tpu.memory_space<vmem>>, vector<1x4x32xf32>
      %reshape3A_23 = vector.shape_cast %get3A_22 : vector<1x4x32xf32> to vector<1x128xf32>
      %lt3A = arith.constant 4 : i32
      %lt3A_24 = vector.broadcast %lt3A : i32 to vector<8x128xi32>
      %lt3A_25 = arith.cmpi slt, %iota3A, %lt3A_24 : vector<8x128xi32>
      %mul3A = arith.constant 32 : i32
      %mul3A_26 = vector.broadcast %mul3A : i32 to vector<8x128xi32>
      %mul3A_27 = arith.muli %iota3A, %mul3A_26 : vector<8x128xi32>
      %ge3A = arith.cmpi sge, %iota3A_14, %mul3A_27 : vector<8x128xi32>
      %and3A = arith.andi %lt3A_25, %ge3A : vector<8x128xi1>
      %add3A_28 = arith.constant 1 : i32
      %add3A_29 = vector.broadcast %add3A_28 : i32 to vector<8x128xi32>
      %add3A_30 = arith.addi %iota3A, %add3A_29 : vector<8x128xi32>
      %mul3A_31 = arith.constant 32 : i32
      %mul3A_32 = vector.broadcast %mul3A_31 : i32 to vector<8x128xi32>
      %mul3A_33 = arith.muli %add3A_30, %mul3A_32 : vector<8x128xi32>
      %lt3A_34 = arith.cmpi slt, %iota3A_14, %mul3A_33 : vector<8x128xi32>
      %and3A_35 = arith.andi %and3A, %lt3A_34 : vector<8x128xi1>
      %sub3A = arith.constant 4 : i32
      %sub3A_36 = vector.broadcast %sub3A : i32 to vector<8x128xi32>
      %sub3A_37 = arith.subi %iota3A, %sub3A_36 : vector<8x128xi32>
      %ge3A_38 = arith.constant 4 : i32
      %ge3A_39 = vector.broadcast %ge3A_38 : i32 to vector<8x128xi32>
      %ge3A_40 = arith.cmpi sge, %iota3A, %ge3A_39 : vector<8x128xi32>
      %mul3A_41 = arith.constant 32 : i32
      %mul3A_42 = vector.broadcast %mul3A_41 : i32 to vector<8x128xi32>
      %mul3A_43 = arith.muli %sub3A_37, %mul3A_42 : vector<8x128xi32>
      %ge3A_44 = arith.cmpi sge, %iota3A_14, %mul3A_43 : vector<8x128xi32>
      %and3A_45 = arith.andi %ge3A_40, %ge3A_44 : vector<8x128xi1>
      %add3A_46 = arith.constant 1 : i32
      %add3A_47 = vector.broadcast %add3A_46 : i32 to vector<8x128xi32>
      %add3A_48 = arith.addi %sub3A_37, %add3A_47 : vector<8x128xi32>
      %mul3A_49 = arith.constant 32 : i32
      %mul3A_50 = vector.broadcast %mul3A_49 : i32 to vector<8x128xi32>
      %mul3A_51 = arith.muli %add3A_48, %mul3A_50 : vector<8x128xi32>
      %lt3A_52 = arith.cmpi slt, %iota3A_14, %mul3A_51 : vector<8x128xi32>
      %and3A_53 = arith.andi %and3A_45, %lt3A_52 : vector<8x128xi1>
      %broadcast_in_dim3A = vector.shape_cast %reshape3A : vector<1x128xf32> to vector<1x128xf32>
      %broadcast_in_dim3A_54 = vector.broadcast %broadcast_in_dim3A : vector<1x128xf32> to vector<8x128xf32>
      %jit3A = arith.constant 0.000000e+00 : f32
      %broadcast_in_dim3A_55 = vector.broadcast %jit3A : f32 to vector<8x128xf32>
      %select_n3A = arith.select %and3A_35, %broadcast_in_dim3A_54, %broadcast_in_dim3A_55 : vector<8x128xi1>, vector<8x128xf32>
      %broadcast_in_dim3A_56 = vector.shape_cast %reshape3A_23 : vector<1x128xf32> to vector<1x128xf32>
      %broadcast_in_dim3A_57 = vector.broadcast %broadcast_in_dim3A_56 : vector<1x128xf32> to vector<8x128xf32>
      %jit3A_58 = arith.constant 0.000000e+00 : f32
      %broadcast_in_dim3A_59 = vector.broadcast %jit3A_58 : f32 to vector<8x128xf32>
      %select_n3A_60 = arith.select %and3A_53, %broadcast_in_dim3A_57, %broadcast_in_dim3A_59 : vector<8x128xi1>, vector<8x128xf32>
      %add3A_61 = arith.addf %select_n3A, %select_n3A_60 : vector<8x128xf32>
      %get3A_62 = arith.constant 0 : index
      %get3A_63 = arith.constant 0 : index
      %get3A_64 = vector.load %arg2[%get3A_62, %get3A_63] : memref<128x128xf32, #tpu.memory_space<vmem>>, vector<128x128xf32>
      %dot_general3A_65 = arith.constant dense<0.000000e+00> : vector<128x8xf32>
      %dot_general3A_66 = tpu.matmul %get3A_64, %add3A_61, %dot_general3A_65 {dimension_numbers = #tpu.dot_dimension_numbers<[0], [1], [1], [0], [0, 1, 1, 0], [], []>, precision = #tpu.contract_precision<fp32>, transpose_lhs_hint = false} : vector<128x128xf32>, vector<8x128xf32>, vector<128x8xf32> -> vector<128x8xf32>
      %swap3A_67 = arith.constant 0 : index
      %swap3A_68 = arith.constant 0 : index
      %swap3A_69 = vector.load %arg7[%swap3A_67, %swap3A_68] : memref<128x8xf32, #tpu.memory_space<vmem>>, vector<128x8xf32>
      tpu.vector_store %arg7[%swap3A_67, %swap3A_68], %dot_general3A_66 {strides = array<i32>} : memref<128x8xf32, #tpu.memory_space<vmem>>, vector<128x8xf32>,
      %get3A_70 = arith.constant 0 : index
      %get3A_71 = arith.constant 0 : index
      %get3A_72 = vector.load %arg3[%get3A_70, %get3A_71] : memref<1x128xf32, #tpu.memory_space<vmem>>, vector<1x128xf32>
      %dot_general3A_73 = arith.constant dense<0.000000e+00> : vector<8x1xf32>
      %dot_general3A_74 = tpu.matmul %add3A_61, %get3A_72, %dot_general3A_73 {dimension_numbers = #tpu.dot_dimension_numbers<[1], [1], [0], [0], [0, 0, 1, 0], [], []>, precision = #tpu.contract_precision<fp32>, transpose_lhs_hint = false} : vector<8x128xf32>, vector<1x128xf32>, vector<8x1xf32> -> vector<8x1xf32>
      %swap3A_75 = arith.constant 0 : index
      %swap3A_76 = arith.constant 0 : index
      %swap3A_77 = vector.load %arg8[%swap3A_75, %swap3A_76] : memref<8x1xf32, #tpu.memory_space<vmem>>, vector<8x1xf32>
      tpu.vector_store %arg8[%swap3A_75, %swap3A_76], %dot_general3A_74 {strides = array<i32>} : memref<8x1xf32, #tpu.memory_space<vmem>>, vector<8x1xf32>,
    } else {
    }
    %get3A = arith.constant 0 : index
    %get3A_2 = arith.constant 0 : index
    %get3A_3 = vector.load %arg7[%get3A, %get3A_2] : memref<128x8xf32, #tpu.memory_space<vmem>>, vector<128x8xf32>
    %get3A_4 = arith.constant 0 : index
    %get3A_5 = arith.constant 0 : index
    %get3A_6 = vector.load %arg1[%get3A_4, %get3A_5] : memref<10000x128xf32, #tpu.memory_space<vmem>>, vector<10000x128xf32>
    %dot_general3A = arith.constant dense<0.000000e+00> : vector<8x10000xf32>
    %dot_general3A_7 = tpu.matmul %get3A_3, %get3A_6, %dot_general3A {dimension_numbers = #tpu.dot_dimension_numbers<[0], [1], [1], [0], [0, 1, 1, 0], [], []>, transpose_lhs_hint = false} : vector<128x8xf32>, vector<10000x128xf32>, vector<8x10000xf32> -> vector<8x10000xf32>
    %get3A_8 = arith.constant 0 : index
    %get3A_9 = arith.constant 0 : index
    %get3A_10 = vector.load %arg8[%get3A_8, %get3A_9] : memref<8x1xf32, #tpu.memory_space<vmem>>, vector<8x1xf32>
    %add3A = vector.broadcast %get3A_10 : vector<8x1xf32> to vector<8x10000xf32>
    %add3A_11 = arith.addf %dot_general3A_7, %add3A : vector<8x10000xf32>
    %swap3A = arith.constant 0 : index
    %swap3A_12 = arith.constant 0 : index
    %swap3A_13 = vector.load %arg6[%swap3A, %swap3A_12] : memref<8x10000xf32, #tpu.memory_space<vmem>>, vector<8x10000xf32>
    tpu.vector_store %arg6[%swap3A, %swap3A_12], %add3A_11 {strides = array<i32>} : memref<8x10000xf32, #tpu.memory_space<vmem>>, vector<8x10000xf32>,
    return
  }
  func.func @transform_0(%arg0: i32) -> (i32, i32) {
    %c0_i32 = arith.constant 0 : i32
    %c0_i32_0 = arith.constant 0 : i32
    return %arg0, %c0_i32 : i32, i32
  }
  func.func @transform_1(%arg0: i32) -> (i32, i32) {
    %c0_i32 = arith.constant 0 : i32
    %c0_i32_0 = arith.constant 0 : i32
    %c0_i32_1 = arith.constant 0 : i32
    return %c0_i32, %c0_i32_0 : i32, i32
  }
  func.func @transform_2(%arg0: i32) -> (i32, i32) {
    %c0_i32 = arith.constant 0 : i32
    %c0_i32_0 = arith.constant 0 : i32
    %c0_i32_1 = arith.constant 0 : i32
    return %c0_i32, %c0_i32_0 : i32, i32
  }
  func.func @transform_3(%arg0: i32) -> (i32, i32, i32) {
    %c0_i32 = arith.constant 0 : i32
    %c0_i32_0 = arith.constant 0 : i32
    %c0_i32_1 = arith.constant 0 : i32
    %c0_i32_2 = arith.constant 0 : i32
    return %c0_i32, %c0_i32_0, %c0_i32_1 : i32, i32, i32
  }
  func.func @transform_4(%arg0: i32) -> (i32, i32, i32) {
    %c0_i32 = arith.constant 0 : i32
    %c0_i32_0 = arith.constant 0 : i32
    %c0_i32_1 = arith.constant 0 : i32
    %c0_i32_2 = arith.constant 0 : i32
    return %c0_i32, %c0_i32_0, %c0_i32_1 : i32, i32, i32
  }
  func.func @transform_5(%arg0: i32) -> (i32, i32) {
    %c0_i32 = arith.constant 0 : i32
    %c0_i32_0 = arith.constant 0 : i32
    return %c0_i32, %arg0 : i32, i32
  }
}

</mosaic_0001>

<sc_bundles>
// kernel: kernel.4.cloned.1.call-start
scs
__scs_entry_jumppad:
0x0: {  	(pc) =	sbr.rel $0x88, $3  }
0x1: {  	(tag) =	ssettag $0x0;
	lr =	simm.s32 $0x1  }
0x2: {  	[smem:$0x3F9B] =	sst lr;
	_ =	strace $0xD0000000  }
0x3: {  	_ = 	snop  }
0x4: {  	_ = 	snop  }
0x5: {  	_ = 	snop  }
0x6: {  	_ = 	snop  }
0x7: {  	_ = 	snop  }
__scs_overlays_trampoline_lowered:
0x8: {  	[smem:$0x3FAA] =	sst s0  }
0x9: {  	[smem:$0x3FAB] =	sst s1  }
0xa: {  	[smem:$0x3FAC] =	sst s2  }
0xb: {  	[smem:$0x3FAD] =	sst s3  }
0xc: {  	[smem:$0x3FAE] =	sst s4  }
0xd: {  	[smem:$0x3FAF] =	sst s5  }
0xe: {  	[smem:$0x3FB0] =	sst s6  }
0xf: {  	[smem:$0x3FB1] =	sst s7  }
0x10: {  	[smem:$0x3FB2] =	sst s8  }
0x11: {  	[smem:$0x3FB3] =	sst s9;
	s0 =	simm.s32 @!p0 $0x0  }
0x12: {  	s1 =	sld [smem:$0x3F99];
	s0 =	simm.s32 @p0 $0x1  }
0x13: {  	[smem:$0x3FB4] =	sst s0;
	s0 =	simm.s32 @!p1 $0x0  }
0x14: {  	s2 =	sld [smem:$0x3F98];
	s0 =	simm.s32 @p1 $0x1  }
0x15: {  	[smem:$0x3FB5] =	sst s0;
	s0 =	simm.s32 @!p2 $0x0  }
0x16: {  	s3 =	sld [smem:$0x3FDB];
	s0 =	simm.s32 @p2 $0x1  }
0x17: {  	s4 =	simm.s32 $0x1BF5;
	[smem:$0x3FB7] =	sst s0  }
0x18: {  	s0 =	sld [smem:$0x3F9A];
	_ =	swait.ge [sflag:s4], $0x0  }
0x19: {  	s7 =	sld [smem:$0x3F9B]  }
0x1a: {  	s8 =	sadd.s32 $0xFFFFE003, lr  }
0x1b: {  	s9 =	sadd.s32 $0xFFFFFEF7, lr;
	s5 =	simm.s32 $0xFFFFFFFF;
	p2 =	slt.u32 s8, $0xFFFFF086  }
0x1c: {  	p1 =	slt.u32 s9, $0xF7A;
	s5 =	simm.s32 @!p2 $0x0  }
0x1d: {  	s5 =	simm.s32 @p1 $0x1;
	p0 =	seq.s32 s7, s2  }
0x1e: {  	s7 =	smul.u32 @!p0 $0xF7A, s2;
	p2 =	seq.s32 @!p0 s5, $0x0  }
0x1f: {  	s9 =	smul.u32 $0xF7A, s1;
	s8 =	simm.s32 @!p0 $0x1BF5;
	p2 =	por !p2, p0  }
0x20: {  	[sflag:s8] =	ssyncset.s32 @!p0 $0xFFFFF086;
	s6 =	sadd.s32 @!p0 s3, s7;
	s7 =	simm.s32 @!p0 $0x108  }
0x21: {  	s3 =	sadd.s32 s3, s9;
	s6 =	sadd.s32 @!p0 $0x88, s6;
	s7 =	simm.s32 @p2 $0x1082  }
0x22: {  	[simem:s7], [sflag:s8] =	dma.local @!p0 [hbm:s6], $0xF7A  }
0x23: {  	s9 =	sor.u32 $0xD0000000, s2;
	s6 =	simm.s32 $0x108;
	_ =	swait.ge @!p0 [sflag:s8], $0x0  }
0x24: {  	s3 =	sadd.s32 $0x88, s3;
	s6 =	simm.s32 @!p1 $0x1082;
	[sflag:s4] =	ssyncset.s32 $0xFFFFF086  }
0x25: {  	[simem:s6], [sflag:s4] =	dma.local [hbm:s3], $0xF7A  }
0x26: {  	[smem:$0x3F9B] =	sst s1;
	(tag) =	ssettag s2;
	_ =	strace s9  }
0x27: {  	s1 =	sld [smem:$0x3FAB]  }
0x28: {  	s2 =	sld [smem:$0x3FAC]  }
0x29: {  	s4 =	sld [smem:$0x3FAE]  }
0x2a: {  	p0 =	seq.s32 s5, $0x0;
	s5 =	sld [smem:$0x3FAF]  }
0x2b: {  	s6 =	sld [smem:$0x3FB0]  }
0x2c: {  	s7 =	sld [smem:$0x3FB1]  }
0x2d: {  	s3 =	simm.s32 $0x108;
	s8 =	sld [smem:$0x3FB2]  }
0x2e: {  	s3 =	simm.s32 @!p0 $0x1082;
	s9 =	sld [smem:$0x3FB3]  }
0x2f: {  	lr =	sadd.s32 s0, s3;
	s0 =	sld [smem:$0x3FAA]  }
0x30: {  	s3 =	sld [smem:$0x3FAD]  }
0x31: {  	[smem:$0x3FB6] =	sst s10  }
0x32: {  	s10 =	sld [smem:$0x3FB4];
	_ =	sdelay $0x3  }
0x33: {  	p0 =	seq.s32 s10, $0x1;
	s10 =	sld [smem:$0x3FB6];
	_ =	sdelay $0x3  }
0x34: {  	[smem:$0x3FB6] =	sst s10  }
0x35: {  	s10 =	sld [smem:$0x3FB5];
	_ =	sdelay $0x3  }
0x36: {  	p1 =	seq.s32 s10, $0x1;
	s10 =	sld [smem:$0x3FB6];
	_ =	sdelay $0x3  }
0x37: {  	[smem:$0x3FB6] =	sst s10  }
0x38: {  	s10 =	sld [smem:$0x3FB7]  }
0x39: {  	_ = 	snop;
	(pc) =	sbr.ind lr, $3  }
0x3a: {  	_ = 	snop  }
0x3b: {  	_ = 	snop  }
0x3c: {  	p2 =	seq.s32 s10, $0x1;
	s10 =	sld [smem:$0x3FB6]  }
0x3d: {  	_ =	shalt  }
0x3e: {  	_ =	shalt  }
0x3f: {  	_ =	shalt  }
0x40: {  	_ =	shalt  }
0x41: {  	_ =	shalt  }
0x42: {  	_ =	shalt  }
0x43: {  	_ =	shalt  }
0x44: {  	_ =	shalt  }
0x45: {  	_ =	shalt  }
0x46: {  	_ =	shalt  }
0x47: {  	_ =	shalt  }
0x48: {  	_ =	shalt  }
0x49: {  	_ =	shalt  }
0x4a: {  	_ =	shalt  }
0x4b: {  	_ =	shalt  }
0x4c: {  	_ =	shalt  }
0x4d: {  	_ =	shalt  }
0x4e: {  	_ =	shalt  }
0x4f: {  	_ =	shalt  }
0x50: {  	_ =	shalt  }
0x51: {  	_ =	shalt  }
0x52: {  	_ =	shalt  }
0x53: {  	_ =	shalt  }
0x54: {  	_ =	shalt  }
0x55: {  	_ =	shalt  }
0x56: {  	_ =	shalt  }
0x57: {  	_ =	shalt  }
0x58: {  	_ =	shalt  }
0x59: {  	_ =	shalt  }
0x5a: {  	_ =	shalt  }
0x5b: {  	_ =	shalt  }
0x5c: {  	_ =	shalt  }
0x5d: {  	_ =	shalt  }
0x5e: {  	_ =	shalt  }
0x5f: {  	_ =	shalt  }
0x60: {  	_ =	shalt  }
0x61: {  	_ =	shalt  }
0x62: {  	_ =	shalt  }
0x63: {  	_ =	shalt  }
0x64: {  	_ =	shalt  }
0x65: {  	_ =	shalt  }
0x66: {  	_ =	shalt  }
0x67: {  	_ =	shalt  }
0x68: {  	_ =	shalt  }
0x69: {  	_ =	shalt  }
0x6a: {  	_ =	shalt  }
0x6b: {  	_ =	shalt  }
0x6c: {  	_ =	shalt  }
0x6d: {  	_ =	shalt  }
0x6e: {  	_ =	shalt  }
0x6f: {  	_ =	shalt  }
0x70: {  	_ =	shalt  }
0x71: {  	_ =	shalt  }
0x72: {  	_ =	shalt  }
0x73: {  	_ =	shalt  }
0x74: {  	_ =	shalt  }
0x75: {  	_ =	shalt  }
0x76: {  	_ =	shalt  }
0x77: {  	_ =	shalt  }
0x78: {  	_ =	shalt  }
0x79: {  	_ =	shalt  }
0x7a: {  	_ =	shalt  }
0x7b: {  	_ =	shalt  }
0x7c: {  	_ =	shalt  }
0x7d: {  	_ =	shalt  }
0x7e: {  	_ =	shalt  }
0x7f: {  	_ =	shalt  }
0x80: {  	_ =	shalt  }
0x81: {  	_ =	shalt  }
0x82: {  	_ =	shalt  }
0x83: {  	_ =	shalt  }
0x84: {  	_ =	shalt  }
0x85: {  	_ =	shalt  }
0x86: {  	_ =	shalt  }
0x87: {  	_ =	shalt  }
.Lfunc_end0:
.L_simem_size_0:
called_computation_lowered:
.L_overlay_start_0:
0x88: {  	s2 =	sld [smem:$0x3FD9]  }
0x89: {  	s3 =	sld [smem:$0x3FFE];
	_ =	sdelay $0x1  }
0x8a: {  	s1 =	srdreg.scid  }
0x8b: {  	s0 =	sand.u32 $0x1, s1  }
0x8c: {  	s17 =	sshll.u32 s0, $0xA;
	s2 =	sadd.s32 s3, s2  }
0x8d: {  	s2 =	sadd.s32 s2, s17  }
0x8e: {  	[smem:$0x3FC2] =	sst s2  }
0x8f: {  	_ = 	snop  }
0x90: {  	s2 =	sld [smem:$0x3FD0];
	(tm) =	ssettm $0x1  }
0x91: {  	s18 =	sld [smem:$0x3FFB];
	_ =	sdelay $0x3  }
0x92: {  	_ =	strace s18  }
0x93: {  	s3 =	sld [smem:$0x3FFC];
	_ =	sdelay $0x3  }
0x94: {  	_ =	strace s3  }
0x95: {  	s3 =	sld [smem:$0x3FFD];
	_ =	sdelay $0x3  }
0x96: {  	_ =	strace s3  }
0x97: {  	_ =	strace $0x8FFFFFFF  }
0x98: {  	s19 =	sld [smem:$0x3FDB];
	_ =	sdelay $0x1  }
0x99: {  	s4 =	simm.s32 $_scs_section_size  }
0x9a: {  	s5 =	simm.s32 $_size__tile_overlayer_lowered;
	s6 =	simm.s32 $_tile_overlayer_lowered  }
0x9b: {  	s22 =	simm.s32 $0x1BFF;
	s21 =	sshll.u32 s6, $0x1;
	s3 =	sadd.s32 s4, s19  }
0x9c: {  	s7 =	simm.s32 $0x0;
	s20 =	sshll.u32 s5, $0x1;
	s5 =	sadd.s32 s21, s3  }
0x9d: {  	[timem:s7], [sflag:s22] =	dma.local [hbm:s5], s20  }
0x9e: {  	_ =	swait.ge [sflag:s22], s20  }
0x9f: {  	s4 =	ssub.s32 $0x0, s20;
	[sflag:s22] =	ssyncset.done $0x0  }
0xa0: {  	[sflag:s22] =	ssyncadd.s32 s4;
	_ =	sdelay $0x1  }
0xa1: {  	s23 =	simm.s32 $0x1B8B  }
0xa2: {  	_ =	swait.ge [sflag:s23], $0x1  }
0xa3: {  	[sflag:s23] =	ssyncset.done $0x0  }
0xa4: {  	s25 =	simm.s32 $0x1B8E;
	s24 =	sld [smem:$0x3FFE];
	[sflag:s23] =	ssyncadd.s32 $0xFFFFFFFF  }
0xa5: {  	s26 =	simm.s32 $execute0_lowered;
	[smem:$0x3FD2] =	sst s25  }
0xa6: {  	s5 =	sshll.u32 s26, $0x1;
	_ =	strace $0x80000046;
	[dreg:$0x1] =	wrdreg $0xFFFFFFFF  }
0xa7: {  	s28 =	simm.s32 $_size_execute0_lowered;
	s3 =	sadd.s32 s3, s5;
	[dreg:$0x0] =	wrdreg $0x0  }
0xa8: {  	s5 =	sshll.u32 s28, $0x1;
	[dreg:$0x2] =	wrdreg s3  }
0xa9: {  	[dreg:$0x3] =	wrdreg s5  }
0xaa: {  	[dreg:$0x4] =	wrdreg $0xC0  }
0xab: {  	_ =	task [dreg:s7], $0x5FFFF  }
0xac: {  	[dreg:$0x1] =	wrdreg $0xFFFFFFFF  }
0xad: {  	[dreg:$0x0] =	wrdreg $0x60  }
0xae: {  	[dreg:$0x2] =	wrdreg s24  }
0xaf: {  	[dreg:$0x3] =	wrdreg s2  }
0xb0: {  	[dreg:$0x4] =	wrdreg $0x9  }
0xb1: {  	_ =	task.clear_ibuf [dreg:s7], $0x5FFFF;
	_ =	strace $0x90000046  }
0xb2: {  	s29 =	simm.s32 $0x9;
	_ =	strace $0x80000048  }
0xb3: {  	_ =	swait.ge [sflag:s29], $0x1  }
0xb4: {  	[sflag:s29] =	ssyncadd.s32 $0xFFFFFFFF  }
0xb5: {  	_ =	strace $0x90000048  }
0xb6: {  	_ =	sfence  }
0xb7: {  	s30 =	sld [smem:$0x0];
	_ =	sdelay $0x2  }
0xb8: {  	s31 =	sshll.u32 s1, $0xD;
	s1 =	sshrl.u32 s1, $0x2  }
0xb9: {  	s3 =	sand.u32 $0x4000, s31;
	s1 =	sadd.s32 s1, s30  }
0xba: {  	s0 =	sor.u32 s3, s0;
	s1 =	sshll.u32 s1, $0x11  }
0xbb: {  	s0 =	sor.u32 s1, s0  }
0xbc: {  	s0 =	sadd.s32 $0x8F2B, s0  }
0xbd: {  	[sflag:s0] =	ssyncadd.remote.s32 $0x1  }
0xbe: {  	_ =	sfence.sel $0xFFFF  }
0xbf: {  	[dreg:$0x0] =	wrdreg $0xFFFFFFFF;
	(pc) =	sbr.abs _section_cstart, $3  }
0xc0: {  	[dreg:$0x1] =	wrdreg $0xFFFFFFFF  }
0xc1: {  	_ =	task.clear_ibuf [dreg:s7], $0x2FFFF;
	_ =	strace $0x9FFFFFFF  }
0xc2: {  	(tm) =	ssettm $0x7FFFFFFF  }
0xc3: {  	_ =	shalt  }
tec
execute0_lowered:
.L_overlay_start_1:
0x0: {  	(tag) =	ssettag $0x1  }
0x1: {  	s0 =	rddreg [dreg:$0x0]  }
0x2: {  	s1 =	srdreg.scid;
	s2 =	stileid.u32  }
0x3: {  	s9 =	rddreg [dreg:$0x1];
	s19 =	simm.s32 $0x2;
	s22 =	simm.s32 $0x1  }
0x4: {  	s29 =	simm.s32 $0x0;
	s1 =	sand.u32 $0x1, s1;
	s3 =	sshll.u32 s2, $0x1  }
0x5: {  	s2 =	simm.s32 $0x0;
	s23 =	sadd.s32 $0x1000, s0;
	s15 =	sor.u32 s1, s3  }
0x6: {  	[smem:$0x7FF] =	sst s2;
	s1 =	ssub.s32 $0x2, s1;
	s4 =	smul.u32 $0xA00, s15  }
0x7: {  	_ =	strace $0x80000047;
	[dreg:$0x3] =	wrdreg s23;
	s7 =	smul.u32 $0x2800, s15  }
0x8: {  	s24 =	sshrl.u32 s1, $0x1;
	s8 =	smul.u32 $0x500, s15;
	p0 =	sgt.u32 s15, $0x1C  }
0x9: {  	s1 =	ssub.s32 s1, s24;
	s24 =	simm.s32 $0x3;
	s4 =	sshrl.u32 s4, $0x3  }
0xa: {  	s10 =	sshrl.u32 s7, $0x3;
	s8 =	sadd.s32 s9, s8;
	s0 =	sadd.s32 s4, s0  }
0xb: {  	s7 =	simm.s32 $0x13880;
	s16 =	sadd.s32 s9, s10;
	s25 =	sadd.s32 $0x3800, s0  }
0xc: {  	s26 =	sadd.s32 $0xD440, s0;
	s28 =	sadd.s32 $0x6000, s0;
	s30 =	sadd.s32 $0xFC40, s0  }
.Ltmp0:
0xd: {  	s9 =	sadd.s32 $0x8800, s0;
	[dreg:$0x4] =	wrdreg s25;
	(pc) =	sbr.rel .LBB2_1-.Ltmp0, $4  }
0xe: {  	s10 =	sadd.s32 $0x12440, s0;
	s11 =	sadd.s32 $0xA000, s16;
	[dreg:$0x5] =	wrdreg s26  }
0xf: {  	s12 =	sadd.s32 $0xB000, s0;
	s13 =	sadd.s32 $0x14C40, s0;
	[dreg:$0x6] =	wrdreg s28  }
0x10: {  	s14 =	sadd.s32 $0x14000, s16;
	s31 =	sadd.s32 $0x1E000, s16;
	[dreg:$0x7] =	wrdreg s30  }
0x11: {  	s16 =	smax.u32 s1, $0x1;
	[dreg:$0x8] =	wrdreg s31;
	s26 =	simm.s32 $0x4  }
.LBB2_8:
0x12: {  	s0 =	simm.s32 $0x4;
	s1 =	simm.s32 $0x5;
	s7 =	simm.s32 $0x13880  }
.LBB2_12:
0x13: {  	s29 =	sadd.s32 $0x1, s29  }
0x14: {  	_ =	swait.ge [sflag:s1], $0x2800;
	p1 =	sne.s32 s29, s16  }
.Ltmp1:
0x15: {  	[sflag:s1] =	ssyncset.done $0x0;
	(pc) =	sbr.rel @!p1 .LBB2_13-.Ltmp1, $4  }
0x16: {  	[sflag:s1] =	ssyncadd.s32 $0xFFFFD800  }
0x17: {  	_ =	swait.ge [sflag:s0], $0x2800  }
0x18: {  	[sflag:s0] =	ssyncset.done $0x0  }
0x19: {  	[sflag:s0] =	ssyncadd.s32 $0xFFFFD800  }
.LBB2_1:
0x1a: {  	s0 =	rddreg [dreg:$0x3]  }
0x1b: {  	[tilespmem:s2], [sflag:$0x1] =	stream.linear.gather [hbm4b:s0+s2], $0x13880, $0x38;
	[tilespmem:$0x1B080] =	vst v63  }
0x1c: {  	s15 =	rddreg [dreg:$0x4]  }
0x1d: {  	[tilespmem:s7], [sflag:$0x2] =	stream.linear.gather [hbm4b:s15+s2], $0xA00, $0x38;
	[tilespmem:$0x1B080] =	vst v63  }
0x1e: {  	s17 =	rddreg [dreg:$0x5];
	s1 =	simm.s32 $0x14280  }
0x1f: {  	[tilespmem:s1], [sflag:$0x2] =	stream.linear.gather [hbm4b:s17+s2], $0xA00, $0x38;
	[tilespmem:$0x1B080] =	vst v63  }
0x20: {  	_ =	swait.ge [sflag:s19], $0xA00  }
0x21: {  	[sflag:s19] =	ssyncset.done $0x0  }
0x22: {  	[sflag:s19] =	ssyncadd.s32 $0xFFFFF600  }
0x23: {  	_ =	swait.ge [sflag:s19], $0xA00  }
0x24: {  	[sflag:s19] =	ssyncset.done $0x0  }
0x25: {  	s20 =	simm.s32 $0x14C80;
	s18 =	rddreg [dreg:$0x6];
	[sflag:s19] =	ssyncadd.s32 $0xFFFFF600  }
0x26: {  	[tilespmem:s20], [sflag:$0x3] =	stream.linear.gather [hbm4b:s18+s2], $0xA00, $0x38;
	[tilespmem:$0x1B080] =	vst v63  }
0x27: {  	s23 =	simm.s32 $0x15680;
	s25 =	simm.s32 $0x0;
	s21 =	rddreg [dreg:$0x7]  }
0x28: {  	[tilespmem:s23], [sflag:$0x3] =	stream.linear.gather [hbm4b:s21+s2], $0xA00, $0x38;
	[tilespmem:$0x1B080] =	vst v63  }
0x29: {  	s3 =	simm.s32 $0x10;
	s15 =	sand.u32 $0xF80, s25;
	_ =	swait.ge [sflag:s22], $0x13880  }
0x2a: {  	s15 =	sadd.s32 $0x14280, s15;
	s17 =	sand.u32 $0x70, s3;
	[sflag:s22] =	ssyncset.done $0x0  }
0x2b: {  	s1 =	sor.u32 s17, s15;
	[sflag:s22] =	ssyncadd.s32 $0xFFFEC780  }
0x2c: {  	s18 =	simm.s32 $0x0;
	v3 =	vld [tilespmem:s1+$0x0]  }
0x2d: {  	v4 =	vld [tilespmem:s18+$0x13890];
	_ =	sdelay $0x3  }
0x2e: {  	s0 =	sand.u32 $0x60, s25;
	v0 =	vadd.s32 $0x9C40, v3  }
0x2f: {  	s4 =	sor.u32 s0, s15  }
0x30: {  	v5 =	vld [tilespmem:s4+$0x0];
	_ =	sdelay $0x1  }
0x31: {  	v1 =	vld.idx.msk [tilespmem:v4+s2+$0x0], $0xffff  }
0x32: {  	v0 =	vld.idx.msk [tilespmem:v0+s2+$0x0], $0xffff  }
0x33: {  	v2 =	vld [tilespmem:s18+$0x13880]  }
0x34: {  	v6 =	vadd.s32 $0x9C40, v5;
	_ =	sdelay $0x1  }
0x35: {  	s5 =	simm.s32 $0x20  }
0x36: {  	s6 =	simm.s32 $0x30;
	s28 =	simm.s32 $0x20;
	s20 =	sand.u32 $0xF80, s5;
	v0 =	vadd.f32 v0, v1  }
0x37: {  	s18 =	sadd.s32 $0x14280, s20;
	s1 =	sand.u32 $0x70, s6;
	v9 =	vld [tilespmem:s28+$0x13890];
	v7 =	vadd.s32 $0x2710, v4  }
0x38: {  	s20 =	sand.u32 $0x3E00, s2;
	s21 =	sor.u32 s1, s18;
	v11 =	vadd.s32 $0xC350, v3;
	v10 =	vld.idx.msk [tilespmem:v6+s2+$0x0], $0xffff;
	v8 =	vmul.f32 $9.999999770e-03, v0  }
0x39: {  	s20 =	sadd.s32 $0x16080, s20;
	v6 =	vld [tilespmem:s21+$0x0];
	vm0 =	vge.f32 v0, $0.0e+00  }
0x3a: {  	s25 =	sor.u32 s17, s20;
	v1 =	vld.idx.msk [tilespmem:v2+s2+$0x0], $0xffff;
	v0 =	vsel vm0, v0, v8  }
0x3b: {  	[tilespmem:s25+$0x0] =	vst v0  }
0x3c: {  	s15 =	sand.u32 $0x60, s5;
	v0 =	vld.idx.msk [tilespmem:v7+s2+$0x0], $0xffff  }
0x3d: {  	s21 =	sor.u32 s15, s18;
	v11 =	vld.idx.msk [tilespmem:v11+s2+$0x0], $0xffff  }
0x3e: {  	v12 =	vadd.s32 $0x9C40, v6;
	v7 =	vld [tilespmem:s21+$0x0]  }
0x3f: {  	v8 =	vld [tilespmem:s28+$0x13880];
	v1 =	vadd.f32 v10, v1  }
0x40: {  	v10 =	vadd.s32 $0x2710, v2  }
0x41: {  	v14 =	vadd.s32 $0xC350, v5;
	v13 =	vmul.f32 $9.999999770e-03, v1  }
0x42: {  	v15 =	vld.idx.msk [tilespmem:v9+s2+$0x0], $0xffff;
	vm15 =	vge.f32 v1, $0.0e+00  }
0x43: {  	s30 =	sor.u32 s0, s20;
	v1 =	vsel vm15, v1, v13;
	v13 =	vadd.s32 $0x9C40, v7;
	v0 =	vadd.f32 v11, v0;
	v11 =	vld.idx.msk [tilespmem:v12+s2+$0x0], $0xffff  }
0x44: {  	[tilespmem:s30+$0x0] =	vst v1;
	v1 =	vadd.s32 $0x4E20, v4  }
0x45: {  	v16 =	vadd.s32 $0xEA60, v3;
	v10 =	vld.idx.msk [tilespmem:v10+s2+$0x0], $0xffff;
	v12 =	vmul.f32 $9.999999770e-03, v0  }
0x46: {  	v14 =	vld.idx.msk [tilespmem:v14+s2+$0x0], $0xffff;
	vm4 =	vge.f32 v0, $0.0e+00  }
0x47: {  	v17 =	vld.idx.msk [tilespmem:v8+s2+$0x0], $0xffff;
	v0 =	vsel vm4, v0, v12  }
0x48: {  	s3 =	simm.s32 $0x40;
	s23 =	simm.s32 $0x80;
	v12 =	vld.idx.msk [tilespmem:v13+s2+$0x0], $0xffff;
	[tilespmem:s25+$0x80] =	vst v0;
	v11 =	vadd.f32 v11, v15  }
0x49: {  	s5 =	sand.u32 $0xF80, s3;
	s4 =	simm.s32 $0x50;
	s6 =	sand.u32 $0x3E00, s23;
	v15 =	vadd.s32 $0x2710, v9;
	v13 =	vld.idx.msk [tilespmem:v1+s2+$0x0], $0xffff  }
0x4a: {  	s20 =	sadd.s32 $0x14280, s5;
	s0 =	sand.u32 $0x70, s4;
	v19 =	vadd.s32 $0xC350, v6;
	s28 =	simm.s32 $0x40;
	v16 =	vld.idx.msk [tilespmem:v16+s2+$0x0], $0xffff;
	v18 =	vmul.f32 $9.999999770e-03, v11  }
0x4b: {  	s18 =	sor.u32 s0, s20;
	s21 =	sadd.s32 $0x16080, s6;
	v0 =	vld [tilespmem:s28+$0x13890];
	v10 =	vadd.f32 v14, v10;
	vm5 =	vge.f32 v11, $0.0e+00  }
0x4c: {  	v22 =	vadd.s32 $0xEA60, v5;
	s1 =	sor.u32 s1, s21;
	v1 =	vld [tilespmem:s18+$0x0];
	v11 =	vsel vm5, v11, v18  }
0x4d: {  	v14 =	vadd.s32 $0x4E20, v2;
	v18 =	vmul.f32 $9.999999770e-03, v10;
	v12 =	vadd.f32 v12, v17;
	v17 =	vld [tilespmem:s28+$0x13880];
	[tilespmem:s1+$0x0] =	vst v11  }
0x4e: {  	s17 =	sand.u32 $0x60, s3;
	vm6 =	vge.f32 v10, $0.0e+00;
	v11 =	vadd.s32 $0x2710, v8;
	v15 =	vld.idx.msk [tilespmem:v15+s2+$0x0], $0xffff  }
0x4f: {  	s23 =	sor.u32 s17, s20;
	v13 =	vadd.f32 v16, v13;
	v16 =	vld.idx.msk [tilespmem:v19+s2+$0x0], $0xffff;
	v10 =	vsel vm6, v10, v18;
	v20 =	vmul.f32 $9.999999770e-03, v12  }
0x50: {  	v4 =	vadd.s32 $0x7530, v4;
	v18 =	vld [tilespmem:s23+$0x0];
	vm1 =	vge.f32 v12, $0.0e+00;
	[tilespmem:s30+$0x80] =	vst v10  }
0x51: {  	s31 =	sor.u32 s15, s21;
	v19 =	vadd.s32 $0x9C40, v1;
	v10 =	vmul.f32 $9.999999770e-03, v13;
	v22 =	vld.idx.msk [tilespmem:v22+s2+$0x0], $0xffff;
	v12 =	vsel vm1, v12, v20  }
0x52: {  	v3 =	vadd.s32 $0x11170, v3;
	vm7 =	vge.f32 v13, $0.0e+00;
	[tilespmem:s31+$0x0] =	vst v12;
	v12 =	vld.idx.msk [tilespmem:v14+s2+$0x0], $0xffff  }
0x53: {  	v10 =	vsel vm7, v13, v10;
	v14 =	vld.idx.msk [tilespmem:v0+s2+$0x0], $0xffff  }
0x54: {  	v13 =	vadd.s32 $0xC350, v7;
	v11 =	vld.idx.msk [tilespmem:v11+s2+$0x0], $0xffff;
	[tilespmem:s25+$0x100] =	vst v10  }
0x55: {  	v15 =	vadd.f32 v16, v15;
	v10 =	vld.idx.msk [tilespmem:v4+s2+$0x0], $0xffff;
	v4 =	vadd.s32 $0x9C40, v18  }
0x56: {  	v16 =	vld.idx.msk [tilespmem:v19+s2+$0x0], $0xffff;
	v19 =	vadd.s32 $0x4E20, v9  }
0x57: {  	v21 =	vadd.s32 $0xEA60, v6;
	v20 =	vld.idx.msk [tilespmem:v3+s2+$0x0], $0xffff;
	v3 =	vmul.f32 $9.999999770e-03, v15  }
0x58: {  	v23 =	vld.idx.msk [tilespmem:v17+s2+$0x0], $0xffff;
	vm8 =	vge.f32 v15, $0.0e+00  }
0x59: {  	v13 =	vld.idx.msk [tilespmem:v13+s2+$0x0], $0xffff;
	v3 =	vsel vm8, v15, v3  }
0x5a: {  	[tilespmem:s1+$0x80] =	vst v3;
	v15 =	vld.idx.msk [tilespmem:v4+s2+$0x0], $0xffff  }
0x5b: {  	s4 =	simm.s32 $0x60;
	v14 =	vadd.f32 v16, v14;
	v19 =	vld.idx.msk [tilespmem:v19+s2+$0x0], $0xffff  }
0x5c: {  	s3 =	simm.s32 $0x100;
	s5 =	simm.s32 $0x70;
	s6 =	sand.u32 $0xF80, s4;
	v16 =	vld.idx.msk [tilespmem:v21+s2+$0x0], $0xffff;
	v21 =	vadd.s32 $0x2710, v0  }
0x5d: {  	s15 =	sand.u32 $0x70, s5;
	s28 =	sand.u32 $0x3E00, s3;
	v32 =	vadd.s32 $0x4E20, v0;
	v25 =	vadd.s32 $0xC350, v1;
	v24 =	vmul.f32 $9.999999770e-03, v14  }
0x5e: {  	s3 =	sadd.s32 $0x14280, s6;
	s23 =	simm.s32 $0x60;
	s28 =	sadd.s32 $0x16080, s28;
	v9 =	vadd.s32 $0x7530, v9;
	vm9 =	vge.f32 v14, $0.0e+00;
	v11 =	vadd.f32 v13, v11  }
0x5f: {  	s20 =	sor.u32 s15, s3;
	s0 =	sor.u32 s0, s28;
	v22 =	vadd.f32 v22, v12;
	v3 =	vadd.s32 $0x7530, v2;
	v2 =	vld [tilespmem:s23+$0x13890];
	v14 =	vsel vm9, v14, v24  }
0x60: {  	v4 =	vld [tilespmem:s20+$0x0];
	v13 =	vadd.s32 $0x4E20, v8;
	[tilespmem:s0+$0x0] =	vst v14;
	v15 =	vadd.f32 v15, v23;
	v14 =	vmul.f32 $9.999999770e-03, v11  }
0x61: {  	v20 =	vadd.f32 v20, v10;
	vm10 =	vge.f32 v11, $0.0e+00;
	v21 =	vld.idx.msk [tilespmem:v21+s2+$0x0], $0xffff;
	v16 =	vadd.f32 v16, v19  }
0x62: {  	s21 =	sand.u32 $0x60, s4;
	v23 =	vadd.s32 $0x2710, v17;
	v27 =	vld.idx.msk [tilespmem:v25+s2+$0x0], $0xffff;
	v24 =	vmul.f32 $9.999999770e-03, v15;
	v11 =	vsel vm10, v11, v14  }
0x63: {  	s3 =	sor.u32 s21, s3;
	vm11 =	vge.f32 v15, $0.0e+00;
	vm12 =	vge.f32 v16, $0.0e+00;
	[tilespmem:s31+$0x80] =	vst v11;
	v11 =	vmul.f32 $9.999999770e-03, v16  }
0x64: {  	v28 =	vld [tilespmem:s3+$0x0];
	s20 =	sor.u32 s17, s28;
	v14 =	vsel vm11, v15, v24;
	v15 =	vadd.s32 $0x11170, v6;
	v6 =	vadd.s32 $0x7530, v8  }
0x65: {  	v24 =	vadd.s32 $0x9C40, v4;
	v8 =	vadd.s32 $0x11170, v7;
	[tilespmem:s20+$0x0] =	vst v14;
	v14 =	vld.idx.msk [tilespmem:v13+s2+$0x0], $0xffff;
	v13 =	vadd.s32 $0xEA60, v7  }
0x66: {  	v26 =	vld [tilespmem:s23+$0x13880];
	v10 =	vsel vm12, v16, v11;
	v11 =	vadd.s32 $0x4E20, v17;
	v16 =	vadd.s32 $0xC350, v18  }
0x67: {  	v25 =	vld.idx.msk [tilespmem:v2+s2+$0x0], $0xffff;
	v7 =	vadd.s32 $0x7530, v17;
	v17 =	vmul.f32 $9.999999770e-03, v20;
	v21 =	vadd.f32 v27, v21;
	[tilespmem:s1+$0x100] =	vst v10  }
0x68: {  	vm13 =	vge.f32 v20, $0.0e+00;
	v10 =	vadd.s32 $0xEA60, v18;
	v29 =	vld.idx.msk [tilespmem:v9+s2+$0x0], $0xffff;
	v9 =	vadd.s32 $0x11170, v18  }
0x69: {  	v12 =	vsel vm13, v20, v17;
	v18 =	vmul.f32 $9.999999770e-03, v22;
	v20 =	vmul.f32 $9.999999770e-03, v21;
	v31 =	vld.idx.msk [tilespmem:v15+s2+$0x0], $0xffff  }
0x6a: {  	v30 =	vadd.s32 $0x9C40, v28;
	vm14 =	vge.f32 v22, $0.0e+00;
	vm15 =	vge.f32 v21, $0.0e+00;
	v27 =	vld.idx.msk [tilespmem:v24+s2+$0x0], $0xffff  }
0x6b: {  	v20 =	vsel vm15, v21, v20;
	v18 =	vsel vm14, v22, v18;
	v24 =	vld.idx.msk [tilespmem:v16+s2+$0x0], $0xffff;
	v16 =	vadd.s32 $0xC350, v28  }
0x6c: {  	v21 =	vld.idx.msk [tilespmem:v13+s2+$0x0], $0xffff;
	v13 =	vadd.s32 $0xEA60, v28;
	[tilespmem:s30+$0x100] =	vst v18;
	v18 =	vadd.s32 $0x11170, v28;
	v28 =	vadd.s32 $0xEA60, v1  }
0x6d: {  	v19 =	vld.idx.msk [tilespmem:v23+s2+$0x0], $0xffff  }
0x6e: {  	v5 =	vadd.s32 $0x11170, v5;
	v23 =	vld.idx.msk [tilespmem:v26+s2+$0x0], $0xffff;
	[tilespmem:s25+$0x180] =	vst v12  }
0x6f: {  	v17 =	vadd.s32 $0x7530, v26;
	v12 =	vadd.s32 $0x4E20, v26;
	v15 =	vadd.s32 $0x2710, v26;
	v26 =	vld.idx.msk [tilespmem:v30+s2+$0x0], $0xffff;
	[tilespmem:s0+$0x80] =	vst v20  }
0x70: {  	s17 =	simm.s32 $0x6;
	s28 =	simm.s32 $0x90;
	s25 =	simm.s32 $0x180;
	v22 =	vld.idx.msk [tilespmem:v32+s2+$0x0], $0xffff;
	v20 =	vadd.f32 v31, v29  }
.LBB2_2:
0x71: {  	s3 =	sadd.s32 $0xFFFFFFF0, s28;
	v25 =	vadd.f32 v27, v25;
	v27 =	vld.idx.msk [tilespmem:v28+s2+$0x0], $0xffff;
	s18 =	smov.u32 s20  }
0x72: {  	s23 =	sand.u32 $0x3E00, s25;
	v28 =	vadd.s32 $0x2710, v2;
	s25 =	sadd.s32 $0x80, s25;
	s20 =	sand.u32 $0xF80, s3;
	v29 =	vmul.f32 $9.999999770e-03, v20;
	v30 =	vld.idx.msk [tilespmem:v3+s2+$0x0], $0xffff;
	v3 =	vmovc v6;
	v6 =	vmovc v7;
	v7 =	vmov v17  }
0x73: {  	s5 =	sand.u32 $0x70, s28;
	v31 =	vadd.s32 $0xC350, v4;
	s4 =	sshra.s32 s25, $0x2;
	vm0 =	vge.f32 v20, $0.0e+00;
	s20 =	sadd.s32 $0x14280, s20;
	v17 =	vmul.f32 $9.999999770e-03, v25;
	v32 =	vld.idx.msk [tilespmem:v5+s2+$0x0], $0xffff;
	v5 =	vmovc v8;
	v8 =	vmovc v9  }
0x74: {  	s17 =	sadd.s32 $0x2, s17;
	s23 =	sadd.s32 $0x16080, s23;
	v19 =	vadd.f32 v24, v19;
	vm1 =	vge.f32 v25, $0.0e+00;
	v9 =	vmovc v18;
	v33 =	vld [tilespmem:s4+$0x13890];
	s6 =	sor.u32 s5, s20;
	v20 =	vsel vm0, v20, v29  }
0x75: {  	s3 =	sand.u32 $0x60, s3;
	p1 =	slt.u32 s17, $0x9E;
	v21 =	vadd.f32 v21, v14;
	v23 =	vadd.f32 v26, v23;
	v18 =	vld [tilespmem:s6+$0x0];
	v17 =	vsel vm1, v25, v17;
	s6 =	sor.u32 s15, s23;
	[tilespmem:s1+$0x180] =	vst v20  }
0x76: {  	vm0 =	vge.f32 v19, $0.0e+00;
	v14 =	vmul.f32 $9.999999770e-03, v19;
	s15 =	smov.u32 s5;
	v20 =	vld [tilespmem:s4+$0x13880];
	s4 =	sor.u32 s3, s20;
	s20 =	sor.u32 s21, s23;
	[tilespmem:s6+$0x0] =	vst v17  }
0x77: {  	s1 =	smov.u32 s0;
	vm1 =	vge.f32 v23, $0.0e+00;
	v17 =	vmul.f32 $9.999999770e-03, v23;
	v22 =	vadd.f32 v27, v22;
	s21 =	smov.u32 s3;
	s0 =	smov.u32 s6;
	v24 =	vld.idx.msk [tilespmem:v28+s2+$0x0], $0xffff  }
0x78: {  	v14 =	vsel vm0, v19, v14;
	v27 =	vadd.s32 $0x7530, v0;
	v0 =	vmovc v2;
	v28 =	vmul.f32 $9.999999770e-03, v21;
	v26 =	vld.idx.msk [tilespmem:v31+s2+$0x0], $0xffff  }
0x79: {  	v17 =	vsel vm1, v23, v17;
	v23 =	vmul.f32 $9.999999770e-03, v22;
	v31 =	vadd.s32 $0x11170, v1;
	v1 =	vmovc v4;
	v29 =	vld [tilespmem:s4+$0x0];
	[tilespmem:s18+$0x80] =	vst v14;
	v2 =	vmovc v33  }
0x7a: {  	vm0 =	vge.f32 v22, $0.0e+00;
	vm1 =	vge.f32 v21, $0.0e+00;
	v34 =	vadd.s32 $0x9C40, v18;
	[tilespmem:s20+$0x0] =	vst v17;
	v14 =	vld.idx.msk [tilespmem:v11+s2+$0x0], $0xffff;
	v4 =	vmovc v18;
	v11 =	vmovc v12  }
0x7b: {  	v18 =	vsel vm0, v22, v23;
	v12 =	vadd.s32 $0x4E20, v20;
	v19 =	vld.idx.msk [tilespmem:v15+s2+$0x0], $0xffff;
	v15 =	vadd.s32 $0x2710, v20  }
0x7c: {  	v22 =	vadd.f32 v32, v30;
	v17 =	vadd.s32 $0x7530, v20;
	v25 =	vld.idx.msk [tilespmem:v33+s2+$0x0], $0xffff;
	[tilespmem:s1+$0x100] =	vst v18;
	v18 =	vsel vm1, v21, v28  }
0x7d: {  	v30 =	vld.idx.msk [tilespmem:v27+s2+$0x0], $0xffff;
	[tilespmem:s31+$0x100] =	vst v18  }
0x7e: {  	v26 =	vadd.f32 v26, v24;
	v32 =	vadd.s32 $0x9C40, v29;
	v21 =	vadd.s32 $0xC350, v29;
	v31 =	vld.idx.msk [tilespmem:v31+s2+$0x0], $0xffff  }
0x7f: {  	v33 =	vadd.s32 $0xEA60, v29;
	v18 =	vadd.s32 $0x11170, v29;
	v29 =	vadd.s32 $0x4E20, v0;
	v27 =	vld.idx.msk [tilespmem:v34+s2+$0x0], $0xffff  }
.Ltmp2:
0x80: {  	v28 =	vadd.s32 $0xEA60, v1;
	v34 =	vmul.f32 $9.999999770e-03, v22;
	v23 =	vld.idx.msk [tilespmem:v20+s2+$0x0], $0xffff;
	v20 =	vmul.f32 $9.999999770e-03, v26;
	(pc) =	sbr.rel @p1 .LBB2_2-.Ltmp2, $4  }
0x81: {  	vm1 =	vge.f32 v22, $0.0e+00;
	vm0 =	vge.f32 v26, $0.0e+00;
	v24 =	vld.idx.msk [tilespmem:v16+s2+$0x0], $0xffff;
	v16 =	vmov v21  }
0x82: {  	v34 =	vsel vm1, v22, v34;
	v20 =	vsel vm0, v26, v20;
	v21 =	vld.idx.msk [tilespmem:v10+s2+$0x0], $0xffff;
	v10 =	vmovc v13;
	v13 =	vmov v33  }
0x83: {  	v26 =	vld.idx.msk [tilespmem:v32+s2+$0x0], $0xffff;
	[tilespmem:s0+$0x80] =	vst v20  }
0x84: {  	s28 =	sadd.s32 $0x20, s28;
	v20 =	vadd.f32 v31, v30;
	v22 =	vld.idx.msk [tilespmem:v29+s2+$0x0], $0xffff;
	[tilespmem:s30+$0x180] =	vst v34;
	s30 =	smov.u32 s31;
	s31 =	smov.u32 s18  }
0x85: {  	v25 =	vadd.f32 v27, v25  }
0x86: {  	v27 =	vadd.s32 $0x2710, v2  }
0x87: {  	s3 =	sand.u32 $0x3E00, s25;
	v30 =	vadd.s32 $0xC350, v4;
	v29 =	vmul.f32 $9.999999770e-03, v25  }
0x88: {  	s3 =	sadd.s32 $0x16080, s3;
	vm0 =	vge.f32 v25, $0.0e+00  }
0x89: {  	s15 =	sor.u32 s15, s3;
	v23 =	vadd.f32 v26, v23;
	v25 =	vsel vm0, v25, v29  }
0x8a: {  	[tilespmem:s15+$0x0] =	vst v25  }
0x8b: {  	v25 =	vmul.f32 $9.999999770e-03, v23;
	v26 =	vld.idx.msk [tilespmem:v27+s2+$0x0], $0xffff  }
0x8c: {  	vm0 =	vge.f32 v23, $0.0e+00;
	v27 =	vld.idx.msk [tilespmem:v30+s2+$0x0], $0xffff  }
0x8d: {  	s17 =	sor.u32 s21, s3;
	v23 =	vsel vm0, v23, v25  }
0x8e: {  	[tilespmem:s17+$0x0] =	vst v23  }
0x8f: {  	v15 =	vld.idx.msk [tilespmem:v15+s2+$0x0], $0xffff  }
0x90: {  	v16 =	vld.idx.msk [tilespmem:v16+s2+$0x0], $0xffff  }
0x91: {  	v23 =	vadd.f32 v27, v26  }
0x92: {  	v25 =	vadd.s32 $0x4E20, v2  }
0x93: {  	v19 =	vadd.f32 v24, v19;
	v26 =	vadd.s32 $0xEA60, v4;
	v24 =	vmul.f32 $9.999999770e-03, v23  }
0x94: {  	vm0 =	vge.f32 v23, $0.0e+00  }
0x95: {  	v27 =	vld.idx.msk [tilespmem:v28+s2+$0x0], $0xffff;
	v28 =	vmul.f32 $9.999999770e-03, v19;
	v15 =	vadd.f32 v16, v15;
	v23 =	vsel vm0, v23, v24  }
0x96: {  	vm0 =	vge.f32 v19, $0.0e+00;
	[tilespmem:s15+$0x80] =	vst v23  }
0x97: {  	v16 =	vsel vm0, v19, v28;
	v23 =	vmul.f32 $9.999999770e-03, v15;
	v19 =	vld.idx.msk [tilespmem:v25+s2+$0x0], $0xffff  }
0x98: {  	vm0 =	vge.f32 v15, $0.0e+00;
	[tilespmem:s20+$0x80] =	vst v16;
	v16 =	vld.idx.msk [tilespmem:v26+s2+$0x0], $0xffff  }
0x99: {  	v14 =	vadd.f32 v21, v14;
	v11 =	vld.idx.msk [tilespmem:v11+s2+$0x0], $0xffff;
	v15 =	vsel vm0, v15, v23  }
0x9a: {  	v10 =	vld.idx.msk [tilespmem:v10+s2+$0x0], $0xffff;
	[tilespmem:s17+$0x80] =	vst v15  }
0x9b: {  	v21 =	vmul.f32 $9.999999770e-03, v14;
	v22 =	vadd.f32 v27, v22;
	v12 =	vld.idx.msk [tilespmem:v12+s2+$0x0], $0xffff  }
0x9c: {  	v0 =	vadd.s32 $0x7530, v0;
	v1 =	vadd.s32 $0x11170, v1;
	vm1 =	vge.f32 v14, $0.0e+00;
	v13 =	vld.idx.msk [tilespmem:v13+s2+$0x0], $0xffff  }
0x9d: {  	v3 =	vld.idx.msk [tilespmem:v3+s2+$0x0], $0xffff;
	v14 =	vsel vm1, v14, v21;
	v15 =	vmul.f32 $9.999999770e-03, v22;
	v16 =	vadd.f32 v16, v19  }
0x9e: {  	v5 =	vld.idx.msk [tilespmem:v5+s2+$0x0], $0xffff;
	v2 =	vadd.s32 $0x7530, v2;
	[tilespmem:s31+$0x100] =	vst v14;
	v4 =	vadd.s32 $0x11170, v4;
	vm0 =	vge.f32 v22, $0.0e+00  }
0x9f: {  	v6 =	vld.idx.msk [tilespmem:v6+s2+$0x0], $0xffff;
	v15 =	vsel vm0, v22, v15;
	v10 =	vadd.f32 v10, v11;
	v11 =	vmul.f32 $9.999999770e-03, v16  }
0xa0: {  	v8 =	vld.idx.msk [tilespmem:v8+s2+$0x0], $0xffff;
	[tilespmem:s0+$0x100] =	vst v15;
	vm0 =	vge.f32 v16, $0.0e+00  }
0xa1: {  	v0 =	vld.idx.msk [tilespmem:v0+s2+$0x0], $0xffff;
	v14 =	vmul.f32 $9.999999770e-03, v10;
	v12 =	vadd.f32 v13, v12;
	v11 =	vsel vm0, v16, v11  }
0xa2: {  	v1 =	vld.idx.msk [tilespmem:v1+s2+$0x0], $0xffff;
	vm0 =	vge.f32 v10, $0.0e+00;
	[tilespmem:s15+$0x100] =	vst v11  }
0xa3: {  	v10 =	vsel vm0, v10, v14;
	v11 =	vmul.f32 $9.999999770e-03, v12;
	v2 =	vld.idx.msk [tilespmem:v2+s2+$0x0], $0xffff  }
0xa4: {  	vm0 =	vge.f32 v12, $0.0e+00;
	[tilespmem:s20+$0x100] =	vst v10;
	v4 =	vld.idx.msk [tilespmem:v4+s2+$0x0], $0xffff  }
0xa5: {  	v7 =	vld.idx.msk [tilespmem:v7+s2+$0x0], $0xffff;
	v10 =	vsel vm0, v12, v11  }
0xa6: {  	v9 =	vld.idx.msk [tilespmem:v9+s2+$0x0], $0xffff;
	[tilespmem:s17+$0x100] =	vst v10  }
0xa7: {  	v3 =	vadd.f32 v5, v3;
	v5 =	vld.idx.msk [tilespmem:v17+s2+$0x0], $0xffff  }
0xa8: {  	v0 =	vadd.f32 v1, v0;
	v10 =	vmul.f32 $9.999999770e-03, v20;
	v1 =	vld.idx.msk [tilespmem:v18+s2+$0x0], $0xffff  }
0xa9: {  	v6 =	vadd.f32 v8, v6;
	vm0 =	vge.f32 v20, $0.0e+00;
	v11 =	vmul.f32 $9.999999770e-03, v3  }
0xaa: {  	v12 =	vmul.f32 $9.999999770e-03, v0;
	v10 =	vsel vm0, v20, v10;
	vm0 =	vge.f32 v3, $0.0e+00  }
0xab: {  	v3 =	vsel vm0, v3, v11;
	vm0 =	vge.f32 v0, $0.0e+00;
	v2 =	vadd.f32 v4, v2  }
0xac: {  	[tilespmem:s1+$0x180] =	vst v10;
	v4 =	vmul.f32 $9.999999770e-03, v6;
	v0 =	vsel vm0, v0, v12;
	v7 =	vadd.f32 v9, v7  }
0xad: {  	[tilespmem:s30+$0x180] =	vst v3;
	vm0 =	vge.f32 v6, $0.0e+00;
	v3 =	vmul.f32 $9.999999770e-03, v2;
	v1 =	vadd.f32 v1, v5  }
0xae: {  	[tilespmem:s0+$0x180] =	vst v0;
	v0 =	vsel vm0, v6, v4;
	vm0 =	vge.f32 v2, $0.0e+00;
	v4 =	vmul.f32 $9.999999770e-03, v7  }
0xaf: {  	[tilespmem:s31+$0x180] =	vst v0;
	v0 =	vsel vm0, v2, v3;
	vm0 =	vge.f32 v7, $0.0e+00;
	v2 =	vmul.f32 $9.999999770e-03, v1  }
0xb0: {  	[tilespmem:s15+$0x180] =	vst v0;
	v0 =	vsel vm0, v7, v4;
	vm0 =	vge.f32 v1, $0.0e+00  }
0xb1: {  	[tilespmem:s20+$0x180] =	vst v0;
	v0 =	vsel vm0, v1, v2  }
0xb2: {  	s25 =	simm.s32 $0x0;
	s6 =	simm.s32 $0x16080;
	[tilespmem:s17+$0x180] =	vst v0  }
0xb3: {  	[hbm4b:s8+s25] =	stream.linear.scatter [tilespmem:s6], [sflag:$0x4], $0x2800, $0x38;
	[tilespmem:$0x1B080] =	vst v63  }
0xb4: {  	_ =	swait.ge [sflag:s24], $0xA00  }
0xb5: {  	[sflag:s24] =	ssyncset.done $0x0  }
0xb6: {  	[sflag:s24] =	ssyncadd.s32 $0xFFFFF600  }
0xb7: {  	_ =	swait.ge [sflag:s24], $0xA00  }
0xb8: {  	s3 =	sand.u32 $0x60, s25;
	s17 =	sand.u32 $0xF80, s25;
	[sflag:s24] =	ssyncset.done $0x0  }
0xb9: {  	s4 =	sor.u32 $0x10, s3;
	s5 =	sadd.s32 $0x15680, s17;
	[sflag:s24] =	ssyncadd.s32 $0xFFFFF600  }
0xba: {  	[tilespmem:s7], [sflag:$0x2] =	stream.linear.gather [hbm4b:s9+s25], $0xA00, $0x38;
	[tilespmem:$0x1B080] =	vst v63  }
0xbb: {  	s15 =	simm.s32 $0x14280;
	s1 =	sadd.s32 $0x14C80, s17;
	s6 =	sor.u32 s4, s5  }
0xbc: {  	[tilespmem:s15], [sflag:$0x2] =	stream.linear.gather [hbm4b:s10+s25], $0xA00, $0x38;
	[tilespmem:$0x1B080] =	vst v63  }
0xbd: {  	s18 =	sor.u32 s4, s1;
	v2 =	vld [tilespmem:s6+$0x0]  }
0xbe: {  	v3 =	vld [tilespmem:s18+$0x0];
	_ =	sdelay $0x3  }
0xbf: {  	v0 =	vadd.s32 $0x9C40, v2  }
0xc0: {  	s5 =	sor.u32 s3, s5  }
0xc1: {  	v4 =	vld [tilespmem:s5+$0x0];
	_ =	sdelay $0x1  }
0xc2: {  	v1 =	vld.idx.msk [tilespmem:v3+s2+$0x0], $0xffff  }
0xc3: {  	s1 =	sor.u32 s3, s1;
	v0 =	vld.idx.msk [tilespmem:v0+s2+$0x0], $0xffff  }
0xc4: {  	v5 =	vld [tilespmem:s1+$0x0]  }
0xc5: {  	s20 =	simm.s32 $0x20;
	v6 =	vadd.s32 $0x9C40, v4  }
0xc6: {  	s21 =	sand.u32 $0xF80, s20;
	s15 =	sand.u32 $0x60, s20  }
0xc7: {  	s1 =	sor.u32 $0x10, s15;
	s5 =	sadd.s32 $0x14C80, s21  }
0xc8: {  	s18 =	sor.u32 s1, s5;
	v0 =	vadd.f32 v0, v1  }
0xc9: {  	s23 =	sadd.s32 $0x15680, s21;
	v7 =	vld [tilespmem:s18+$0x0];
	v9 =	vadd.s32 $0x2710, v3  }
0xca: {  	s0 =	sand.u32 $0x3E00, s25;
	s25 =	sor.u32 s1, s23;
	v11 =	vadd.s32 $0xC350, v2;
	v1 =	vld.idx.msk [tilespmem:v6+s2+$0x0], $0xffff;
	v8 =	vmul.f32 $9.999999770e-03, v0  }
0xcb: {  	s0 =	sadd.s32 $0x18880, s0;
	v6 =	vld [tilespmem:s25+$0x0];
	vm0 =	vge.f32 v0, $0.0e+00  }
0xcc: {  	s28 =	sor.u32 s4, s0;
	s6 =	sor.u32 s15, s23;
	v10 =	vld.idx.msk [tilespmem:v5+s2+$0x0], $0xffff;
	v0 =	vsel vm0, v0, v8  }
0xcd: {  	v8 =	vld [tilespmem:s6+$0x0];
	[tilespmem:s28+$0x0] =	vst v0  }
0xce: {  	v0 =	vld.idx.msk [tilespmem:v9+s2+$0x0], $0xffff  }
0xcf: {  	s7 =	sor.u32 s15, s5;
	v11 =	vld.idx.msk [tilespmem:v11+s2+$0x0], $0xffff  }
0xd0: {  	v12 =	vadd.s32 $0x9C40, v6;
	v9 =	vld [tilespmem:s7+$0x0];
	_ =	sdelay $0x1  }
0xd1: {  	v13 =	vadd.s32 $0x9C40, v8  }
0xd2: {  	v1 =	vadd.f32 v1, v10  }
0xd3: {  	v14 =	vld.idx.msk [tilespmem:v7+s2+$0x0], $0xffff;
	v10 =	vadd.s32 $0x2710, v5  }
0xd4: {  	v15 =	vadd.s32 $0xC350, v4;
	v16 =	vmul.f32 $9.999999770e-03, v1;
	v0 =	vadd.f32 v11, v0;
	v11 =	vld.idx.msk [tilespmem:v12+s2+$0x0], $0xffff  }
0xd5: {  	vm0 =	vge.f32 v1, $0.0e+00;
	v12 =	vadd.s32 $0x4E20, v3  }
0xd6: {  	s30 =	sor.u32 s3, s0;
	v17 =	vadd.s32 $0xEA60, v2;
	v1 =	vsel vm0, v1, v16;
	v16 =	vmul.f32 $9.999999770e-03, v0;
	v13 =	vld.idx.msk [tilespmem:v13+s2+$0x0], $0xffff  }
0xd7: {  	[tilespmem:s30+$0x0] =	vst v1;
	vm0 =	vge.f32 v0, $0.0e+00;
	v1 =	vld.idx.msk [tilespmem:v9+s2+$0x0], $0xffff  }
0xd8: {  	s17 =	simm.s32 $0x40;
	v10 =	vld.idx.msk [tilespmem:v10+s2+$0x0], $0xffff;
	v0 =	vsel vm0, v0, v16  }
0xd9: {  	s18 =	sand.u32 $0xF80, s17;
	s17 =	sand.u32 $0x60, s17;
	v15 =	vld.idx.msk [tilespmem:v15+s2+$0x0], $0xffff;
	[tilespmem:s28+$0x80] =	vst v0;
	v11 =	vadd.f32 v11, v14  }
0xda: {  	s21 =	simm.s32 $0x80;
	s20 =	sadd.s32 $0x14C80, s18;
	s0 =	sor.u32 $0x10, s17;
	v14 =	vadd.s32 $0x2710, v7;
	v12 =	vld.idx.msk [tilespmem:v12+s2+$0x0], $0xffff  }
0xdb: {  	s5 =	sand.u32 $0x3E00, s21;
	s3 =	sadd.s32 $0x15680, s18;
	s23 =	sor.u32 s0, s20;
	v18 =	vadd.s32 $0xC350, v6;
	v16 =	vld.idx.msk [tilespmem:v17+s2+$0x0], $0xffff;
	v17 =	vmul.f32 $9.999999770e-03, v11  }
0xdc: {  	s5 =	sadd.s32 $0x18880, s5;
	s25 =	sor.u32 s0, s3;
	v0 =	vld [tilespmem:s23+$0x0];
	vm0 =	vge.f32 v11, $0.0e+00;
	v13 =	vadd.f32 v13, v1  }
0xdd: {  	s1 =	sor.u32 s1, s5;
	s3 =	sor.u32 s17, s3;
	v19 =	vadd.s32 $0x2710, v9;
	v1 =	vld [tilespmem:s25+$0x0];
	v11 =	vsel vm0, v11, v17  }
0xde: {  	v10 =	vadd.f32 v15, v10;
	v15 =	vld [tilespmem:s3+$0x0];
	v17 =	vadd.s32 $0xC350, v8;
	v20 =	vmul.f32 $9.999999770e-03, v13;
	[tilespmem:s1+$0x0] =	vst v11  }
0xdf: {  	v11 =	vadd.s32 $0x4E20, v5;
	vm0 =	vge.f32 v13, $0.0e+00;
	v14 =	vld.idx.msk [tilespmem:v14+s2+$0x0], $0xffff  }
0xe0: {  	s31 =	sor.u32 s15, s5;
	s4 =	sor.u32 s17, s20;
	v21 =	vmul.f32 $9.999999770e-03, v10;
	v12 =	vadd.f32 v16, v12;
	v16 =	vld.idx.msk [tilespmem:v18+s2+$0x0], $0xffff;
	v13 =	vsel vm0, v13, v20  }
0xe1: {  	v3 =	vadd.s32 $0x7530, v3;
	v18 =	vld [tilespmem:s4+$0x0];
	vm0 =	vge.f32 v10, $0.0e+00;
	[tilespmem:s31+$0x0] =	vst v13  }
0xe2: {  	v10 =	vsel vm0, v10, v21;
	v13 =	vmul.f32 $9.999999770e-03, v12;
	v20 =	vadd.s32 $0x9C40, v1;
	v19 =	vld.idx.msk [tilespmem:v19+s2+$0x0], $0xffff  }
0xe3: {  	v2 =	vadd.s32 $0x11170, v2;
	vm0 =	vge.f32 v12, $0.0e+00;
	[tilespmem:s30+$0x80] =	vst v10;
	v10 =	vld.idx.msk [tilespmem:v17+s2+$0x0], $0xffff  }
0xe4: {  	v17 =	vld.idx.msk [tilespmem:v11+s2+$0x0], $0xffff;
	v12 =	vsel vm0, v12, v13  }
0xe5: {  	v11 =	vadd.s32 $0x9C40, v15;
	v13 =	vld.idx.msk [tilespmem:v0+s2+$0x0], $0xffff;
	[tilespmem:s28+$0x100] =	vst v12  }
0xe6: {  	v12 =	vadd.s32 $0xEA60, v4;
	v21 =	vld.idx.msk [tilespmem:v3+s2+$0x0], $0xffff;
	v3 =	vadd.f32 v16, v14  }
0xe7: {  	v16 =	vadd.s32 $0x4E20, v7;
	v14 =	vld.idx.msk [tilespmem:v20+s2+$0x0], $0xffff  }
0xe8: {  	v22 =	vadd.s32 $0xEA60, v6;
	v20 =	vld.idx.msk [tilespmem:v2+s2+$0x0], $0xffff;
	v2 =	vmul.f32 $9.999999770e-03, v3  }
0xe9: {  	vm0 =	vge.f32 v3, $0.0e+00;
	v23 =	vld.idx.msk [tilespmem:v18+s2+$0x0], $0xffff  }
0xea: {  	s5 =	simm.s32 $0x60;
	v10 =	vadd.f32 v10, v19;
	v11 =	vld.idx.msk [tilespmem:v11+s2+$0x0], $0xffff;
	v2 =	vsel vm0, v3, v2  }
0xeb: {  	s21 =	sand.u32 $0x60, s5;
	s6 =	sand.u32 $0xF80, s5;
	v19 =	vadd.s32 $0x4E20, v9;
	v12 =	vld.idx.msk [tilespmem:v12+s2+$0x0], $0xffff;
	[tilespmem:s1+$0x80] =	vst v2  }
0xec: {  	s7 =	sadd.s32 $0x14C80, s6;
	s25 =	sor.u32 $0x10, s21;
	v3 =	vmul.f32 $9.999999770e-03, v10;
	v16 =	vld.idx.msk [tilespmem:v16+s2+$0x0], $0xffff;
	v13 =	vadd.f32 v14, v13  }
0xed: {  	s15 =	simm.s32 $0x100;
	s18 =	sor.u32 s25, s7;
	s4 =	sadd.s32 $0x15680, s6;
	vm0 =	vge.f32 v10, $0.0e+00;
	v14 =	vld.idx.msk [tilespmem:v22+s2+$0x0], $0xffff;
	v22 =	vadd.s32 $0x2710, v0  }
0xee: {  	s20 =	sand.u32 $0x3E00, s15;
	s23 =	sor.u32 s25, s4;
	v25 =	vadd.s32 $0xC350, v1;
	v2 =	vsel vm0, v10, v3;
	v3 =	vld [tilespmem:s18+$0x0];
	v24 =	vmul.f32 $9.999999770e-03, v13  }
0xef: {  	s6 =	sadd.s32 $0x18880, s20;
	[tilespmem:s31+$0x80] =	vst v2;
	v2 =	vld [tilespmem:s23+$0x0];
	v11 =	vadd.f32 v11, v23;
	vm0 =	vge.f32 v13, $0.0e+00  }
0xf0: {  	v28 =	vadd.s32 $0x7530, v5;
	s4 =	sor.u32 s21, s4;
	s0 =	sor.u32 s0, s6;
	v10 =	vld.idx.msk [tilespmem:v19+s2+$0x0], $0xffff;
	v13 =	vsel vm0, v13, v24  }
0xf1: {  	v27 =	vadd.s32 $0x11170, v6;
	v19 =	vadd.s32 $0x2710, v18;
	v24 =	vld [tilespmem:s4+$0x0];
	v26 =	vmul.f32 $9.999999770e-03, v11;
	[tilespmem:s0+$0x0] =	vst v13  }
0xf2: {  	v23 =	vadd.s32 $0xC350, v15;
	vm0 =	vge.f32 v11, $0.0e+00;
	v14 =	vadd.f32 v14, v16;
	v13 =	vld.idx.msk [tilespmem:v22+s2+$0x0], $0xffff  }
0xf3: {  	v5 =	vadd.s32 $0x11170, v8;
	v11 =	vsel vm0, v11, v26;
	v25 =	vld.idx.msk [tilespmem:v25+s2+$0x0], $0xffff;
	v26 =	vadd.s32 $0x7530, v7  }
0xf4: {  	s3 =	sor.u32 s21, s7;
	v6 =	vadd.s32 $0x11170, v15;
	s20 =	sor.u32 s17, s6;
	v16 =	vadd.s32 $0xEA60, v8;
	v8 =	vmul.f32 $9.999999770e-03, v14  }
0xf5: {  	v29 =	vld [tilespmem:s3+$0x0];
	v20 =	vadd.f32 v20, v21;
	v7 =	vadd.s32 $0x7530, v9;
	[tilespmem:s20+$0x0] =	vst v11;
	vm0 =	vge.f32 v14, $0.0e+00  }
0xf6: {  	v9 =	vadd.s32 $0x9C40, v2;
	v11 =	vadd.s32 $0xEA60, v15;
	v19 =	vld.idx.msk [tilespmem:v19+s2+$0x0], $0xffff;
	v8 =	vsel vm0, v14, v8  }
0xf7: {  	v15 =	vmul.f32 $9.999999770e-03, v20;
	v30 =	vld.idx.msk [tilespmem:v23+s2+$0x0], $0xffff;
	v21 =	vadd.s32 $0x9C40, v24;
	v14 =	vadd.f32 v12, v17;
	[tilespmem:s1+$0x100] =	vst v8  }
0xf8: {  	v12 =	vadd.s32 $0x4E20, v18;
	v8 =	vadd.s32 $0x7530, v18;
	v18 =	vld.idx.msk [tilespmem:v26+s2+$0x0], $0xffff;
	v26 =	vadd.f32 v25, v13  }
0xf9: {  	v33 =	vadd.s32 $0x4E20, v0;
	v22 =	vld.idx.msk [tilespmem:v3+s2+$0x0], $0xffff;
	vm0 =	vge.f32 v20, $0.0e+00;
	v17 =	vmul.f32 $9.999999770e-03, v14  }
0xfa: {  	v32 =	vsel vm0, v20, v15;
	v31 =	vld.idx.msk [tilespmem:v27+s2+$0x0], $0xffff;
	vm0 =	vge.f32 v14, $0.0e+00;
	v20 =	vmul.f32 $9.999999770e-03, v26  }
0xfb: {  	v4 =	vadd.s32 $0x11170, v4;
	v27 =	vld.idx.msk [tilespmem:v9+s2+$0x0], $0xffff;
	v9 =	vsel vm0, v14, v17;
	vm0 =	vge.f32 v26, $0.0e+00  }
0xfc: {  	v15 =	vadd.s32 $0x11170, v24;
	v23 =	vld.idx.msk [tilespmem:v21+s2+$0x0], $0xffff;
	v21 =	vsel vm0, v26, v20;
	v26 =	vadd.s32 $0xEA60, v1  }
0xfd: {  	v13 =	vadd.s32 $0xEA60, v24;
	v14 =	vadd.s32 $0xC350, v24;
	v24 =	vld.idx.msk [tilespmem:v29+s2+$0x0], $0xffff;
	v25 =	vadd.f32 v30, v19  }
0xfe: {  	[tilespmem:s30+$0x100] =	vst v9;
	v20 =	vld.idx.msk [tilespmem:v16+s2+$0x0], $0xffff  }
0xff: {  	v17 =	vadd.s32 $0x2710, v29;
	v19 =	vadd.s32 $0x4E20, v29;
	v16 =	vld.idx.msk [tilespmem:v28+s2+$0x0], $0xffff;
	v28 =	vmul.f32 $9.999999770e-03, v25;
	[tilespmem:s0+$0x80] =	vst v21  }
0x100: {  	s17 =	simm.s32 $0x6;
	[tilespmem:s28+$0x180] =	vst v32;
	s28 =	simm.s32 $0x80;
	v9 =	vadd.s32 $0x7530, v29;
	vm0 =	vge.f32 v25, $0.0e+00;
	v18 =	vadd.f32 v31, v18;
	v21 =	vld.idx.msk [tilespmem:v33+s2+$0x0], $0xffff  }
.LBB2_4:
0x101: {  	s3 =	sand.u32 $0xF80, s28;
	s4 =	sand.u32 $0x60, s28;
	v22 =	vadd.f32 v27, v22;
	v25 =	vsel vm0, v25, v28;
	v26 =	vld.idx.msk [tilespmem:v26+s2+$0x0], $0xffff  }
0x102: {  	v27 =	vadd.s32 $0x2710, v3;
	s15 =	sadd.s32 $0x80, s15;
	s5 =	sadd.s32 $0x14C80, s3;
	s6 =	sor.u32 $0x10, s4;
	[tilespmem:s20+$0x80] =	vst v25;
	v25 =	vmul.f32 $9.999999770e-03, v18;
	v28 =	vld.idx.msk [tilespmem:v4+s2+$0x0], $0xffff;
	v4 =	vmovc v5;
	v5 =	vmovc v6;
	v6 =	vmov v15  }
0x103: {  	v29 =	vadd.s32 $0xC350, v2;
	s3 =	sadd.s32 $0x15680, s3;
	s23 =	sand.u32 $0x3E00, s15;
	vm0 =	vge.f32 v18, $0.0e+00;
	s18 =	sor.u32 s6, s5;
	v15 =	vmul.f32 $9.999999770e-03, v22;
	v30 =	vld.idx.msk [tilespmem:v12+s2+$0x0], $0xffff;
	v12 =	vmovc v19  }
0x104: {  	v23 =	vadd.f32 v23, v24;
	s7 =	sor.u32 s4, s3;
	s3 =	sor.u32 s6, s3;
	vm1 =	vge.f32 v22, $0.0e+00;
	v19 =	vld [tilespmem:s18+$0x0];
	s18 =	sadd.s32 $0x18880, s23;
	v18 =	vsel vm0, v18, v25  }
0x105: {  	s17 =	sadd.s32 $0x2, s17;
	s5 =	sor.u32 s4, s5;
	v10 =	vadd.f32 v20, v10;
	v24 =	vld [tilespmem:s3+$0x0];
	v15 =	vsel vm1, v22, v15;
	s3 =	sor.u32 s25, s18;
	[tilespmem:s1+$0x180] =	vst v18  }
0x106: {  	p1 =	slt.u32 s17, $0x9E;
	vm0 =	vge.f32 v23, $0.0e+00;
	v20 =	vmul.f32 $9.999999770e-03, v23;
	v18 =	vld [tilespmem:s7+$0x0];
	s7 =	sor.u32 s21, s18;
	[tilespmem:s3+$0x0] =	vst v15;
	s21 =	smov.u32 s4  }
0x107: {  	vm1 =	vge.f32 v10, $0.0e+00;
	s25 =	smov.u32 s6;
	s1 =	smov.u32 s0;
	v15 =	vadd.f32 v26, v21;
	v21 =	vmul.f32 $9.999999770e-03, v10;
	s0 =	smov.u32 s3;
	v25 =	vld.idx.msk [tilespmem:v27+s2+$0x0], $0xffff  }
0x108: {  	v20 =	vsel vm0, v23, v20;
	v26 =	vadd.s32 $0x7530, v0;
	v0 =	vmovc v3;
	v16 =	vadd.f32 v28, v16;
	v23 =	vld.idx.msk [tilespmem:v29+s2+$0x0], $0xffff  }
0x109: {  	v27 =	vadd.s32 $0x11170, v1;
	v22 =	vsel vm1, v10, v21;
	v10 =	vmovc v30;
	v28 =	vld [tilespmem:s5+$0x0];
	[tilespmem:s7+$0x0] =	vst v20;
	v20 =	vmul.f32 $9.999999770e-03, v15;
	v3 =	vmovc v19  }
0x10a: {  	v1 =	vmovc v2;
	vm0 =	vge.f32 v15, $0.0e+00;
	v21 =	vadd.s32 $0x9C40, v24;
	v29 =	vld.idx.msk [tilespmem:v17+s2+$0x0], $0xffff;
	[tilespmem:s31+$0x100] =	vst v22;
	v17 =	vmul.f32 $9.999999770e-03, v16;
	v2 =	vmovc v24  }
0x10b: {  	v24 =	vadd.s32 $0x9C40, v18;
	v30 =	vld.idx.msk [tilespmem:v14+s2+$0x0], $0xffff;
	v14 =	vadd.s32 $0xC350, v18;
	v20 =	vsel vm0, v15, v20  }
0x10c: {  	v31 =	vadd.s32 $0xEA60, v18;
	v15 =	vadd.s32 $0x11170, v18;
	vm0 =	vge.f32 v16, $0.0e+00;
	v22 =	vld.idx.msk [tilespmem:v19+s2+$0x0], $0xffff;
	[tilespmem:s1+$0x100] =	vst v20  }
0x10d: {  	v16 =	vsel vm0, v16, v17;
	v18 =	vld.idx.msk [tilespmem:v26+s2+$0x0], $0xffff  }
0x10e: {  	v20 =	vadd.f32 v23, v25;
	v17 =	vadd.s32 $0x2710, v28;
	v19 =	vadd.s32 $0x4E20, v28;
	v32 =	vld.idx.msk [tilespmem:v27+s2+$0x0], $0xffff;
	[tilespmem:s30+$0x180] =	vst v16;
	s30 =	smov.u32 s31;
	s31 =	smov.u32 s20;
	s20 =	smov.u32 s7  }
0x10f: {  	v33 =	vadd.s32 $0x7530, v28;
	v27 =	vld.idx.msk [tilespmem:v21+s2+$0x0], $0xffff;
	v21 =	vadd.s32 $0x4E20, v0  }
.Ltmp3:
0x110: {  	v26 =	vadd.s32 $0xEA60, v1;
	v16 =	vmul.f32 $9.999999770e-03, v20;
	v23 =	vld.idx.msk [tilespmem:v24+s2+$0x0], $0xffff;
	(pc) =	sbr.rel @p1 .LBB2_4-.Ltmp3, $4  }
0x111: {  	vm0 =	vge.f32 v20, $0.0e+00;
	v25 =	vadd.f32 v30, v29;
	v24 =	vld.idx.msk [tilespmem:v28+s2+$0x0], $0xffff  }
0x112: {  	v16 =	vsel vm0, v20, v16;
	v20 =	vld.idx.msk [tilespmem:v11+s2+$0x0], $0xffff;
	v11 =	vmov v13;
	v13 =	vmov v31  }
0x113: {  	vm0 =	vge.f32 v25, $0.0e+00;
	v28 =	vmul.f32 $9.999999770e-03, v25;
	[tilespmem:s0+$0x80] =	vst v16;
	v16 =	vld.idx.msk [tilespmem:v7+s2+$0x0], $0xffff;
	v7 =	vmovc v8;
	v8 =	vmovc v9;
	v9 =	vmov v33  }
0x114: {  	s28 =	sadd.s32 $0x20, s28;
	v18 =	vadd.f32 v32, v18;
	v21 =	vld.idx.msk [tilespmem:v21+s2+$0x0], $0xffff  }
0x115: {  	v22 =	vadd.f32 v27, v22  }
0x116: {  	v27 =	vadd.s32 $0x2710, v3;
	s3 =	sadd.s32 $0x80, s15  }
0x117: {  	v30 =	vadd.s32 $0xC350, v2;
	s3 =	sand.u32 $0x3E00, s3;
	v29 =	vmul.f32 $9.999999770e-03, v22  }
0x118: {  	s3 =	sadd.s32 $0x18880, s3;
	vm1 =	vge.f32 v22, $0.0e+00  }
0x119: {  	v23 =	vadd.f32 v23, v24;
	s4 =	sor.u32 s25, s3;
	v22 =	vsel vm1, v22, v29  }
0x11a: {  	[tilespmem:s4+$0x0] =	vst v22  }
0x11b: {  	v22 =	vmul.f32 $9.999999770e-03, v23;
	v24 =	vld.idx.msk [tilespmem:v27+s2+$0x0], $0xffff  }
0x11c: {  	vm10 =	vge.f32 v23, $0.0e+00;
	v27 =	vld.idx.msk [tilespmem:v30+s2+$0x0], $0xffff  }
0x11d: {  	s17 =	sor.u32 s21, s3;
	v22 =	vsel vm10, v23, v22  }
0x11e: {  	[tilespmem:s17+$0x0] =	vst v22  }
0x11f: {  	v17 =	vld.idx.msk [tilespmem:v17+s2+$0x0], $0xffff  }
0x120: {  	v14 =	vld.idx.msk [tilespmem:v14+s2+$0x0], $0xffff  }
0x121: {  	v22 =	vadd.f32 v27, v24  }
0x122: {  	v23 =	vadd.s32 $0x4E20, v3  }
0x123: {  	v27 =	vadd.s32 $0xEA60, v2;
	v24 =	vmul.f32 $9.999999770e-03, v22  }
0x124: {  	vm11 =	vge.f32 v22, $0.0e+00  }
0x125: {  	v14 =	vadd.f32 v14, v17;
	v17 =	vsel vm11, v22, v24  }
0x126: {  	v26 =	vld.idx.msk [tilespmem:v26+s2+$0x0], $0xffff;
	[tilespmem:s4+$0x80] =	vst v17  }
0x127: {  	v17 =	vsel vm0, v25, v28;
	v22 =	vmul.f32 $9.999999770e-03, v14;
	v23 =	vld.idx.msk [tilespmem:v23+s2+$0x0], $0xffff  }
0x128: {  	vm12 =	vge.f32 v14, $0.0e+00;
	[tilespmem:s20+$0x80] =	vst v17;
	v17 =	vld.idx.msk [tilespmem:v27+s2+$0x0], $0xffff  }
0x129: {  	v10 =	vadd.f32 v20, v10;
	v12 =	vld.idx.msk [tilespmem:v12+s2+$0x0], $0xffff;
	v14 =	vsel vm12, v14, v22  }
0x12a: {  	v11 =	vld.idx.msk [tilespmem:v11+s2+$0x0], $0xffff;
	[tilespmem:s17+$0x80] =	vst v14  }
0x12b: {  	v20 =	vmul.f32 $9.999999770e-03, v10;
	v21 =	vadd.f32 v26, v21;
	v19 =	vld.idx.msk [tilespmem:v19+s2+$0x0], $0xffff  }
0x12c: {  	v0 =	vadd.s32 $0x7530, v0;
	v1 =	vadd.s32 $0x11170, v1;
	vm14 =	vge.f32 v10, $0.0e+00;
	v13 =	vld.idx.msk [tilespmem:v13+s2+$0x0], $0xffff  }
0x12d: {  	v10 =	vsel vm14, v10, v20;
	v14 =	vmul.f32 $9.999999770e-03, v21;
	v17 =	vadd.f32 v17, v23  }
0x12e: {  	v4 =	vld.idx.msk [tilespmem:v4+s2+$0x0], $0xffff;
	vm13 =	vge.f32 v21, $0.0e+00;
	v3 =	vadd.s32 $0x7530, v3;
	[tilespmem:s31+$0x100] =	vst v10;
	v2 =	vadd.s32 $0x11170, v2  }
0x12f: {  	v7 =	vld.idx.msk [tilespmem:v7+s2+$0x0], $0xffff;
	v14 =	vsel vm13, v21, v14;
	v11 =	vadd.f32 v11, v12;
	v12 =	vmul.f32 $9.999999770e-03, v17  }
0x130: {  	v5 =	vld.idx.msk [tilespmem:v5+s2+$0x0], $0xffff;
	[tilespmem:s0+$0x100] =	vst v14;
	vm15 =	vge.f32 v17, $0.0e+00  }
0x131: {  	v0 =	vld.idx.msk [tilespmem:v0+s2+$0x0], $0xffff;
	v10 =	vmul.f32 $9.999999770e-03, v11;
	v13 =	vadd.f32 v13, v19;
	v12 =	vsel vm15, v17, v12  }
0x132: {  	v1 =	vld.idx.msk [tilespmem:v1+s2+$0x0], $0xffff;
	vm4 =	vge.f32 v11, $0.0e+00;
	[tilespmem:s4+$0x100] =	vst v12  }
0x133: {  	v10 =	vsel vm4, v11, v10;
	v11 =	vmul.f32 $9.999999770e-03, v13;
	v3 =	vld.idx.msk [tilespmem:v3+s2+$0x0], $0xffff  }
0x134: {  	vm5 =	vge.f32 v13, $0.0e+00;
	[tilespmem:s20+$0x100] =	vst v10;
	v2 =	vld.idx.msk [tilespmem:v2+s2+$0x0], $0xffff  }
0x135: {  	v8 =	vld.idx.msk [tilespmem:v8+s2+$0x0], $0xffff;
	v10 =	vsel vm5, v13, v11  }
0x136: {  	v6 =	vld.idx.msk [tilespmem:v6+s2+$0x0], $0xffff;
	[tilespmem:s17+$0x100] =	vst v10  }
0x137: {  	v4 =	vadd.f32 v4, v16;
	v9 =	vld.idx.msk [tilespmem:v9+s2+$0x0], $0xffff  }
0x138: {  	v5 =	vadd.f32 v5, v7;
	v0 =	vadd.f32 v1, v0;
	v1 =	vld.idx.msk [tilespmem:v15+s2+$0x0], $0xffff  }
0x139: {  	vm6 =	vge.f32 v18, $0.0e+00;
	vm7 =	vge.f32 v4, $0.0e+00;
	v11 =	vmul.f32 $9.999999770e-03, v4  }
0x13a: {  	vm9 =	vge.f32 v5, $0.0e+00;
	v10 =	vmul.f32 $9.999999770e-03, v18;
	v12 =	vmul.f32 $9.999999770e-03, v0  }
0x13b: {  	vm8 =	vge.f32 v0, $0.0e+00;
	v4 =	vsel vm7, v4, v11;
	v2 =	vadd.f32 v2, v3  }
0x13c: {  	v10 =	vsel vm6, v18, v10;
	[tilespmem:s30+$0x180] =	vst v4;
	v3 =	vmul.f32 $9.999999770e-03, v5;
	v6 =	vadd.f32 v6, v8  }
0x13d: {  	v0 =	vsel vm8, v0, v12;
	[tilespmem:s1+$0x180] =	vst v10;
	v4 =	vmul.f32 $9.999999770e-03, v2;
	v1 =	vadd.f32 v1, v9  }
0x13e: {  	[tilespmem:s0+$0x180] =	vst v0;
	v0 =	vsel vm9, v5, v3;
	vm10 =	vge.f32 v2, $0.0e+00;
	v3 =	vmul.f32 $9.999999770e-03, v6  }
0x13f: {  	[tilespmem:s31+$0x180] =	vst v0;
	vm11 =	vge.f32 v6, $0.0e+00;
	v0 =	vsel vm10, v2, v4;
	v2 =	vmul.f32 $9.999999770e-03, v1  }
0x140: {  	[tilespmem:s4+$0x180] =	vst v0;
	v0 =	vsel vm11, v6, v3;
	vm12 =	vge.f32 v1, $0.0e+00  }
0x141: {  	[tilespmem:s20+$0x180] =	vst v0;
	v0 =	vsel vm12, v1, v2  }
0x142: {  	s5 =	simm.s32 $0x18880;
	[tilespmem:s17+$0x180] =	vst v0  }
0x143: {  	[hbm4b:s11+s2] =	stream.linear.scatter [tilespmem:s5], [sflag:$0x5], $0x2800, $0x38;
	[tilespmem:$0x1B080] =	vst v63  }
0x144: {  	_ =	swait.ge [sflag:s19], $0xA00  }
0x145: {  	[sflag:s19] =	ssyncset.done $0x0  }
0x146: {  	[sflag:s19] =	ssyncadd.s32 $0xFFFFF600  }
0x147: {  	_ =	swait.ge [sflag:s19], $0xA00  }
0x148: {  	[sflag:s19] =	ssyncset.done $0x0  }
0x149: {  	s0 =	simm.s32 @!p0 $0x0;
	s1 =	simm.s32 @!p0 $0x14C80;
	[sflag:s19] =	ssyncadd.s32 $0xFFFFF600  }
0x14a: {  	[tilespmem:s1], [sflag:$0x3] =	stream.linear.gather @!p0 [hbm4b:s12+s0], $0xA00, $0x38;
	[tilespmem:$0x1B080] =	vst v63  }
0x14b: {  	s6 =	simm.s32 $0x0;
	s1 =	simm.s32 @!p0 $0x15680  }
0x14c: {  	[tilespmem:s1], [sflag:$0x3] =	stream.linear.gather @!p0 [hbm4b:s13+s0], $0xA00, $0x38;
	[tilespmem:$0x1B080] =	vst v63  }
0x14d: {  	s7 =	simm.s32 $0x10;
	s15 =	sand.u32 $0xF80, s6;
	_ =	swait.ge [sflag:s26], $0x2800  }
0x14e: {  	s3 =	sadd.s32 $0x14280, s15;
	s4 =	sand.u32 $0x70, s7;
	[sflag:s26] =	ssyncset.done $0x0  }
0x14f: {  	s1 =	sor.u32 s4, s3;
	[sflag:s26] =	ssyncadd.s32 $0xFFFFD800  }
0x150: {  	s5 =	simm.s32 $0x0;
	v3 =	vld [tilespmem:s1+$0x0]  }
0x151: {  	v4 =	vld [tilespmem:s5+$0x13890];
	_ =	sdelay $0x3  }
0x152: {  	s0 =	sand.u32 $0x60, s6;
	v0 =	vadd.s32 $0x9C40, v3  }
0x153: {  	s17 =	sor.u32 s0, s3  }
0x154: {  	v5 =	vld [tilespmem:s17+$0x0];
	_ =	sdelay $0x1  }
0x155: {  	v1 =	vld.idx.msk [tilespmem:v4+s2+$0x0], $0xffff  }
0x156: {  	v0 =	vld.idx.msk [tilespmem:v0+s2+$0x0], $0xffff  }
0x157: {  	v2 =	vld [tilespmem:s5+$0x13880]  }
0x158: {  	v6 =	vadd.s32 $0x9C40, v5;
	_ =	sdelay $0x1  }
0x159: {  	s18 =	simm.s32 $0x20  }
0x15a: {  	s23 =	simm.s32 $0x20;
	s21 =	sand.u32 $0xF80, s18;
	s20 =	simm.s32 $0x30;
	v0 =	vadd.f32 v0, v1  }
0x15b: {  	s6 =	simm.s32 $0x0;
	s5 =	sadd.s32 $0x14280, s21;
	s1 =	sand.u32 $0x70, s20;
	v9 =	vld [tilespmem:s23+$0x13890];
	v7 =	vadd.s32 $0x2710, v4  }
0x15c: {  	s6 =	sand.u32 $0x3E00, s6;
	s7 =	sor.u32 s1, s5;
	v11 =	vadd.s32 $0xC350, v3;
	v10 =	vld.idx.msk [tilespmem:v6+s2+$0x0], $0xffff;
	v8 =	vmul.f32 $9.999999770e-03, v0  }
0x15d: {  	s6 =	sadd.s32 $0x16080, s6;
	v6 =	vld [tilespmem:s7+$0x0];
	vm13 =	vge.f32 v0, $0.0e+00  }
0x15e: {  	s25 =	sor.u32 s4, s6;
	v1 =	vld.idx.msk [tilespmem:v2+s2+$0x0], $0xffff;
	v0 =	vsel vm13, v0, v8  }
0x15f: {  	[tilespmem:s25+$0x0] =	vst v0  }
0x160: {  	s15 =	sand.u32 $0x60, s18;
	v0 =	vld.idx.msk [tilespmem:v7+s2+$0x0], $0xffff  }
0x161: {  	s3 =	sor.u32 s15, s5;
	v11 =	vld.idx.msk [tilespmem:v11+s2+$0x0], $0xffff  }
0x162: {  	v12 =	vadd.s32 $0x9C40, v6;
	v7 =	vld [tilespmem:s3+$0x0]  }
0x163: {  	v8 =	vld [tilespmem:s23+$0x13880];
	v1 =	vadd.f32 v10, v1  }
0x164: {  	v10 =	vadd.s32 $0x2710, v2  }
0x165: {  	v14 =	vadd.s32 $0xC350, v5;
	v13 =	vmul.f32 $9.999999770e-03, v1  }
0x166: {  	v15 =	vld.idx.msk [tilespmem:v9+s2+$0x0], $0xffff;
	vm14 =	vge.f32 v1, $0.0e+00  }
0x167: {  	s30 =	sor.u32 s0, s6;
	v1 =	vsel vm14, v1, v13;
	v13 =	vadd.s32 $0x9C40, v7;
	v0 =	vadd.f32 v11, v0;
	v11 =	vld.idx.msk [tilespmem:v12+s2+$0x0], $0xffff  }
0x168: {  	[tilespmem:s30+$0x0] =	vst v1;
	v1 =	vadd.s32 $0x4E20, v4  }
0x169: {  	v16 =	vadd.s32 $0xEA60, v3;
	v10 =	vld.idx.msk [tilespmem:v10+s2+$0x0], $0xffff;
	v12 =	vmul.f32 $9.999999770e-03, v0  }
0x16a: {  	v14 =	vld.idx.msk [tilespmem:v14+s2+$0x0], $0xffff;
	vm15 =	vge.f32 v0, $0.0e+00  }
0x16b: {  	v17 =	vld.idx.msk [tilespmem:v8+s2+$0x0], $0xffff;
	v0 =	vsel vm15, v0, v12  }
0x16c: {  	s18 =	simm.s32 $0x50;
	s17 =	simm.s32 $0x40;
	v12 =	vld.idx.msk [tilespmem:v13+s2+$0x0], $0xffff;
	[tilespmem:s25+$0x80] =	vst v0;
	v11 =	vadd.f32 v11, v15  }
0x16d: {  	s0 =	sand.u32 $0x70, s18;
	s20 =	sand.u32 $0xF80, s17;
	s7 =	simm.s32 $0x80;
	v15 =	vadd.s32 $0x2710, v9;
	v13 =	vld.idx.msk [tilespmem:v1+s2+$0x0], $0xffff  }
0x16e: {  	s5 =	sadd.s32 $0x14280, s20;
	s21 =	sand.u32 $0x3E00, s7;
	v19 =	vadd.s32 $0xC350, v6;
	s23 =	simm.s32 $0x40;
	v16 =	vld.idx.msk [tilespmem:v16+s2+$0x0], $0xffff;
	v18 =	vmul.f32 $9.999999770e-03, v11  }
0x16f: {  	s4 =	sor.u32 s0, s5;
	s6 =	sadd.s32 $0x16080, s21;
	v0 =	vld [tilespmem:s23+$0x13890];
	v10 =	vadd.f32 v14, v10;
	vm4 =	vge.f32 v11, $0.0e+00  }
0x170: {  	v22 =	vadd.s32 $0xEA60, v5;
	s1 =	sor.u32 s1, s6;
	v1 =	vld [tilespmem:s4+$0x0];
	v11 =	vsel vm4, v11, v18  }
0x171: {  	v14 =	vadd.s32 $0x4E20, v2;
	v18 =	vmul.f32 $9.999999770e-03, v10;
	v12 =	vadd.f32 v12, v17;
	v17 =	vld [tilespmem:s23+$0x13880];
	[tilespmem:s1+$0x0] =	vst v11  }
0x172: {  	s17 =	sand.u32 $0x60, s17;
	vm5 =	vge.f32 v10, $0.0e+00;
	v11 =	vadd.s32 $0x2710, v8;
	v15 =	vld.idx.msk [tilespmem:v15+s2+$0x0], $0xffff  }
0x173: {  	s3 =	sor.u32 s17, s5;
	v13 =	vadd.f32 v16, v13;
	v16 =	vld.idx.msk [tilespmem:v19+s2+$0x0], $0xffff;
	v10 =	vsel vm5, v10, v18;
	v20 =	vmul.f32 $9.999999770e-03, v12  }
0x174: {  	v4 =	vadd.s32 $0x7530, v4;
	v18 =	vld [tilespmem:s3+$0x0];
	vm6 =	vge.f32 v12, $0.0e+00;
	[tilespmem:s30+$0x80] =	vst v10  }
0x175: {  	s31 =	sor.u32 s15, s6;
	v19 =	vadd.s32 $0x9C40, v1;
	v10 =	vmul.f32 $9.999999770e-03, v13;
	v22 =	vld.idx.msk [tilespmem:v22+s2+$0x0], $0xffff;
	v12 =	vsel vm6, v12, v20  }
0x176: {  	v3 =	vadd.s32 $0x11170, v3;
	vm7 =	vge.f32 v13, $0.0e+00;
	[tilespmem:s31+$0x0] =	vst v12;
	v12 =	vld.idx.msk [tilespmem:v14+s2+$0x0], $0xffff  }
0x177: {  	v10 =	vsel vm7, v13, v10;
	v14 =	vld.idx.msk [tilespmem:v0+s2+$0x0], $0xffff  }
0x178: {  	v13 =	vadd.s32 $0xC350, v7;
	v11 =	vld.idx.msk [tilespmem:v11+s2+$0x0], $0xffff;
	[tilespmem:s25+$0x100] =	vst v10  }
0x179: {  	v15 =	vadd.f32 v16, v15;
	v10 =	vld.idx.msk [tilespmem:v4+s2+$0x0], $0xffff;
	v4 =	vadd.s32 $0x9C40, v18  }
0x17a: {  	v16 =	vld.idx.msk [tilespmem:v19+s2+$0x0], $0xffff;
	v19 =	vadd.s32 $0x4E20, v9  }
0x17b: {  	v21 =	vadd.s32 $0xEA60, v6;
	v20 =	vld.idx.msk [tilespmem:v3+s2+$0x0], $0xffff;
	v3 =	vmul.f32 $9.999999770e-03, v15  }
0x17c: {  	v23 =	vld.idx.msk [tilespmem:v17+s2+$0x0], $0xffff;
	vm8 =	vge.f32 v15, $0.0e+00  }
0x17d: {  	v13 =	vld.idx.msk [tilespmem:v13+s2+$0x0], $0xffff;
	v3 =	vsel vm8, v15, v3  }
0x17e: {  	[tilespmem:s1+$0x80] =	vst v3;
	v15 =	vld.idx.msk [tilespmem:v4+s2+$0x0], $0xffff  }
0x17f: {  	s18 =	simm.s32 $0x60;
	v14 =	vadd.f32 v16, v14;
	v19 =	vld.idx.msk [tilespmem:v19+s2+$0x0], $0xffff  }
0x180: {  	s20 =	simm.s32 $0x70;
	s21 =	sand.u32 $0xF80, s18;
	s15 =	simm.s32 $0x100;
	v16 =	vld.idx.msk [tilespmem:v21+s2+$0x0], $0xffff;
	v21 =	vadd.s32 $0x2710, v0  }
0x181: {  	s6 =	sadd.s32 $0x14280, s21;
	v32 =	vadd.s32 $0x4E20, v0;
	s3 =	sand.u32 $0x3E00, s15;
	v25 =	vadd.s32 $0xC350, v1;
	v24 =	vmul.f32 $9.999999770e-03, v14  }
0x182: {  	s23 =	simm.s32 $0x60;
	s15 =	sand.u32 $0x70, s20;
	s3 =	sadd.s32 $0x16080, s3;
	v9 =	vadd.s32 $0x7530, v9;
	vm9 =	vge.f32 v14, $0.0e+00;
	v11 =	vadd.f32 v13, v11  }
0x183: {  	s5 =	sor.u32 s15, s6;
	s0 =	sor.u32 s0, s3;
	v22 =	vadd.f32 v22, v12;
	v3 =	vadd.s32 $0x7530, v2;
	v2 =	vld [tilespmem:s23+$0x13890];
	v14 =	vsel vm9, v14, v24  }
0x184: {  	v4 =	vld [tilespmem:s5+$0x0];
	v13 =	vadd.s32 $0x4E20, v8;
	[tilespmem:s0+$0x0] =	vst v14;
	v15 =	vadd.f32 v15, v23;
	v14 =	vmul.f32 $9.999999770e-03, v11  }
0x185: {  	v20 =	vadd.f32 v20, v10;
	vm10 =	vge.f32 v11, $0.0e+00;
	v21 =	vld.idx.msk [tilespmem:v21+s2+$0x0], $0xffff;
	v16 =	vadd.f32 v16, v19  }
0x186: {  	s21 =	sand.u32 $0x60, s18;
	v23 =	vadd.s32 $0x2710, v17;
	v27 =	vld.idx.msk [tilespmem:v25+s2+$0x0], $0xffff;
	v24 =	vmul.f32 $9.999999770e-03, v15;
	v11 =	vsel vm10, v11, v14  }
0x187: {  	s4 =	sor.u32 s21, s6;
	vm11 =	vge.f32 v15, $0.0e+00;
	vm12 =	vge.f32 v16, $0.0e+00;
	[tilespmem:s31+$0x80] =	vst v11;
	v11 =	vmul.f32 $9.999999770e-03, v16  }
0x188: {  	v28 =	vld [tilespmem:s4+$0x0];
	s20 =	sor.u32 s17, s3;
	v14 =	vsel vm11, v15, v24;
	v15 =	vadd.s32 $0x11170, v6;
	v6 =	vadd.s32 $0x7530, v8  }
0x189: {  	v24 =	vadd.s32 $0x9C40, v4;
	v8 =	vadd.s32 $0x11170, v7;
	[tilespmem:s20+$0x0] =	vst v14;
	v14 =	vld.idx.msk [tilespmem:v13+s2+$0x0], $0xffff;
	v13 =	vadd.s32 $0xEA60, v7  }
0x18a: {  	v26 =	vld [tilespmem:s23+$0x13880];
	v10 =	vsel vm12, v16, v11;
	v11 =	vadd.s32 $0x4E20, v17;
	v16 =	vadd.s32 $0xC350, v18  }
0x18b: {  	v25 =	vld.idx.msk [tilespmem:v2+s2+$0x0], $0xffff;
	v7 =	vadd.s32 $0x7530, v17;
	v17 =	vmul.f32 $9.999999770e-03, v20;
	v21 =	vadd.f32 v27, v21;
	[tilespmem:s1+$0x100] =	vst v10  }
0x18c: {  	vm13 =	vge.f32 v20, $0.0e+00;
	v10 =	vadd.s32 $0xEA60, v18;
	v29 =	vld.idx.msk [tilespmem:v9+s2+$0x0], $0xffff;
	v9 =	vadd.s32 $0x11170, v18  }
0x18d: {  	v12 =	vsel vm13, v20, v17;
	v18 =	vmul.f32 $9.999999770e-03, v22;
	v20 =	vmul.f32 $9.999999770e-03, v21;
	v31 =	vld.idx.msk [tilespmem:v15+s2+$0x0], $0xffff  }
0x18e: {  	v30 =	vadd.s32 $0x9C40, v28;
	vm14 =	vge.f32 v22, $0.0e+00;
	vm15 =	vge.f32 v21, $0.0e+00;
	v27 =	vld.idx.msk [tilespmem:v24+s2+$0x0], $0xffff  }
0x18f: {  	v20 =	vsel vm15, v21, v20;
	v18 =	vsel vm14, v22, v18;
	v24 =	vld.idx.msk [tilespmem:v16+s2+$0x0], $0xffff;
	v16 =	vadd.s32 $0xC350, v28  }
0x190: {  	v21 =	vld.idx.msk [tilespmem:v13+s2+$0x0], $0xffff;
	v13 =	vadd.s32 $0xEA60, v28;
	[tilespmem:s30+$0x100] =	vst v18;
	v18 =	vadd.s32 $0x11170, v28;
	v28 =	vadd.s32 $0xEA60, v1  }
0x191: {  	v19 =	vld.idx.msk [tilespmem:v23+s2+$0x0], $0xffff  }
0x192: {  	v5 =	vadd.s32 $0x11170, v5;
	v23 =	vld.idx.msk [tilespmem:v26+s2+$0x0], $0xffff;
	[tilespmem:s25+$0x180] =	vst v12  }
0x193: {  	v17 =	vadd.s32 $0x7530, v26;
	v12 =	vadd.s32 $0x4E20, v26;
	v15 =	vadd.s32 $0x2710, v26;
	v26 =	vld.idx.msk [tilespmem:v30+s2+$0x0], $0xffff;
	[tilespmem:s0+$0x80] =	vst v20  }
0x194: {  	s28 =	simm.s32 $0x90;
	s17 =	simm.s32 $0x6;
	s25 =	simm.s32 $0x180;
	v22 =	vld.idx.msk [tilespmem:v32+s2+$0x0], $0xffff;
	v20 =	vadd.f32 v31, v29  }
.LBB2_6:
0x195: {  	s3 =	sadd.s32 $0xFFFFFFF0, s28;
	v25 =	vadd.f32 v27, v25;
	v27 =	vld.idx.msk [tilespmem:v28+s2+$0x0], $0xffff;
	s18 =	smov.u32 s20  }
0x196: {  	s5 =	sand.u32 $0x3E00, s25;
	v28 =	vadd.s32 $0x2710, v2;
	s25 =	sadd.s32 $0x80, s25;
	s4 =	sand.u32 $0xF80, s3;
	v29 =	vmul.f32 $9.999999770e-03, v20;
	v30 =	vld.idx.msk [tilespmem:v3+s2+$0x0], $0xffff;
	v3 =	vmovc v6;
	v6 =	vmovc v7;
	v7 =	vmov v17  }
0x197: {  	s7 =	sand.u32 $0x70, s28;
	v31 =	vadd.s32 $0xC350, v4;
	s6 =	sshra.s32 s25, $0x2;
	vm0 =	vge.f32 v20, $0.0e+00;
	s4 =	sadd.s32 $0x14280, s4;
	v17 =	vmul.f32 $9.999999770e-03, v25;
	v32 =	vld.idx.msk [tilespmem:v5+s2+$0x0], $0xffff;
	v5 =	vmovc v8;
	v8 =	vmovc v9  }
0x198: {  	s17 =	sadd.s32 $0x2, s17;
	s5 =	sadd.s32 $0x16080, s5;
	v19 =	vadd.f32 v24, v19;
	vm1 =	vge.f32 v25, $0.0e+00;
	v9 =	vmovc v18;
	v33 =	vld [tilespmem:s6+$0x13890];
	s20 =	sor.u32 s7, s4;
	v20 =	vsel vm0, v20, v29  }
0x199: {  	s3 =	sand.u32 $0x60, s3;
	p1 =	slt.u32 s17, $0x9E;
	s23 =	sor.u32 s15, s5;
	v21 =	vadd.f32 v21, v14;
	v23 =	vadd.f32 v26, v23;
	v18 =	vld [tilespmem:s20+$0x0];
	v17 =	vsel vm1, v25, v17;
	[tilespmem:s1+$0x180] =	vst v20  }
0x19a: {  	s15 =	smov.u32 s7;
	s4 =	sor.u32 s3, s4;
	vm0 =	vge.f32 v19, $0.0e+00;
	v14 =	vmul.f32 $9.999999770e-03, v19;
	s20 =	sor.u32 s21, s5;
	v20 =	vld [tilespmem:s6+$0x13880];
	[tilespmem:s23+$0x0] =	vst v17  }
0x19b: {  	s21 =	smov.u32 s3;
	s1 =	smov.u32 s0;
	s0 =	smov.u32 s23;
	vm1 =	vge.f32 v23, $0.0e+00;
	v17 =	vmul.f32 $9.999999770e-03, v23;
	v22 =	vadd.f32 v27, v22;
	v24 =	vld.idx.msk [tilespmem:v28+s2+$0x0], $0xffff  }
0x19c: {  	v14 =	vsel vm0, v19, v14;
	v27 =	vadd.s32 $0x7530, v0;
	v0 =	vmovc v2;
	v28 =	vmul.f32 $9.999999770e-03, v21;
	v26 =	vld.idx.msk [tilespmem:v31+s2+$0x0], $0xffff  }
0x19d: {  	v17 =	vsel vm1, v23, v17;
	v23 =	vmul.f32 $9.999999770e-03, v22;
	v31 =	vadd.s32 $0x11170, v1;
	v1 =	vmovc v4;
	v29 =	vld [tilespmem:s4+$0x0];
	[tilespmem:s18+$0x80] =	vst v14;
	v2 =	vmovc v33  }
0x19e: {  	vm0 =	vge.f32 v22, $0.0e+00;
	vm1 =	vge.f32 v21, $0.0e+00;
	v34 =	vadd.s32 $0x9C40, v18;
	[tilespmem:s20+$0x0] =	vst v17;
	v14 =	vld.idx.msk [tilespmem:v11+s2+$0x0], $0xffff;
	v4 =	vmovc v18;
	v11 =	vmovc v12  }
0x19f: {  	v18 =	vsel vm0, v22, v23;
	v12 =	vadd.s32 $0x4E20, v20;
	v19 =	vld.idx.msk [tilespmem:v15+s2+$0x0], $0xffff;
	v15 =	vadd.s32 $0x2710, v20  }
0x1a0: {  	v22 =	vadd.f32 v32, v30;
	v17 =	vadd.s32 $0x7530, v20;
	v25 =	vld.idx.msk [tilespmem:v33+s2+$0x0], $0xffff;
	[tilespmem:s1+$0x100] =	vst v18;
	v18 =	vsel vm1, v21, v28  }
0x1a1: {  	v30 =	vld.idx.msk [tilespmem:v27+s2+$0x0], $0xffff;
	[tilespmem:s31+$0x100] =	vst v18  }
0x1a2: {  	v26 =	vadd.f32 v26, v24;
	v32 =	vadd.s32 $0x9C40, v29;
	v21 =	vadd.s32 $0xC350, v29;
	v31 =	vld.idx.msk [tilespmem:v31+s2+$0x0], $0xffff  }
0x1a3: {  	v33 =	vadd.s32 $0xEA60, v29;
	v18 =	vadd.s32 $0x11170, v29;
	v29 =	vadd.s32 $0x4E20, v0;
	v27 =	vld.idx.msk [tilespmem:v34+s2+$0x0], $0xffff  }
.Ltmp4:
0x1a4: {  	v28 =	vadd.s32 $0xEA60, v1;
	v34 =	vmul.f32 $9.999999770e-03, v22;
	v23 =	vld.idx.msk [tilespmem:v20+s2+$0x0], $0xffff;
	v20 =	vmul.f32 $9.999999770e-03, v26;
	(pc) =	sbr.rel @p1 .LBB2_6-.Ltmp4, $4  }
0x1a5: {  	vm1 =	vge.f32 v22, $0.0e+00;
	vm0 =	vge.f32 v26, $0.0e+00;
	v24 =	vld.idx.msk [tilespmem:v16+s2+$0x0], $0xffff;
	v16 =	vmov v21  }
0x1a6: {  	v34 =	vsel vm1, v22, v34;
	v20 =	vsel vm0, v26, v20;
	v21 =	vld.idx.msk [tilespmem:v10+s2+$0x0], $0xffff;
	v10 =	vmovc v13;
	v13 =	vmov v33  }
0x1a7: {  	v26 =	vld.idx.msk [tilespmem:v32+s2+$0x0], $0xffff;
	[tilespmem:s0+$0x80] =	vst v20  }
0x1a8: {  	s28 =	sadd.s32 $0x20, s28;
	v20 =	vadd.f32 v31, v30;
	v22 =	vld.idx.msk [tilespmem:v29+s2+$0x0], $0xffff;
	[tilespmem:s30+$0x180] =	vst v34;
	s30 =	smov.u32 s31;
	s31 =	smov.u32 s18  }
0x1a9: {  	_ = 	snop  }
0x1aa: {  	v25 =	vadd.f32 v27, v25  }
0x1ab: {  	v63 =	vadd.s32 $0x2710, v2  }
0x1ac: {  	s3 =	sand.u32 $0x3E00, s25;
	v30 =	vadd.s32 $0xC350, v4;
	v29 =	vmul.f32 $9.999999770e-03, v25;
	v23 =	vadd.f32 v26, v23  }
0x1ad: {  	s3 =	sadd.s32 $0x16080, s3;
	vm0 =	vge.f32 v25, $0.0e+00  }
0x1ae: {  	s15 =	sor.u32 s15, s3;
	v25 =	vsel vm0, v25, v29;
	v31 =	vmul.f32 $9.999999770e-03, v23  }
0x1af: {  	[tilespmem:s15+$0x0] =	vst v25;
	vm13 =	vge.f32 v23, $0.0e+00  }
0x1b0: {  	s17 =	sor.u32 s21, s3;
	v32 =	vld.idx.msk [tilespmem:v63+s2+$0x0], $0xffff;
	v23 =	vsel vm13, v23, v31  }
0x1b1: {  	v33 =	vld.idx.msk [tilespmem:v30+s2+$0x0], $0xffff;
	[tilespmem:s17+$0x0] =	vst v23  }
0x1b2: {  	v19 =	vadd.f32 v24, v19;
	v15 =	vld.idx.msk [tilespmem:v15+s2+$0x0], $0xffff  }
0x1b3: {  	v16 =	vld.idx.msk [tilespmem:v16+s2+$0x0], $0xffff  }
0x1b4: {  	v39 =	vmul.f32 $9.999999770e-03, v19  }
0x1b5: {  	vm15 =	vge.f32 v19, $0.0e+00  }
0x1b6: {  	v40 =	vsel vm15, v19, v39;
	v34 =	vadd.f32 v33, v32  }
0x1b7: {  	v35 =	vadd.s32 $0x4E20, v2;
	[tilespmem:s20+$0x80] =	vst v40  }
0x1b8: {  	v37 =	vadd.s32 $0xEA60, v4;
	v11 =	vld.idx.msk [tilespmem:v11+s2+$0x0], $0xffff;
	v36 =	vmul.f32 $9.999999770e-03, v34;
	v15 =	vadd.f32 v16, v15  }
0x1b9: {  	v10 =	vld.idx.msk [tilespmem:v10+s2+$0x0], $0xffff;
	vm14 =	vge.f32 v34, $0.0e+00  }
0x1ba: {  	v23 =	vsel vm14, v34, v36;
	v42 =	vmul.f32 $9.999999770e-03, v15  }
0x1bb: {  	v38 =	vld.idx.msk [tilespmem:v28+s2+$0x0], $0xffff;
	[tilespmem:s15+$0x80] =	vst v23;
	vm4 =	vge.f32 v15, $0.0e+00  }
0x1bc: {  	v14 =	vadd.f32 v21, v14;
	v41 =	vld.idx.msk [tilespmem:v35+s2+$0x0], $0xffff;
	v15 =	vsel vm4, v15, v42  }
0x1bd: {  	v43 =	vld.idx.msk [tilespmem:v37+s2+$0x0], $0xffff;
	[tilespmem:s17+$0x80] =	vst v15  }
0x1be: {  	v21 =	vmul.f32 $9.999999770e-03, v14;
	v10 =	vadd.f32 v10, v11;
	v12 =	vld.idx.msk [tilespmem:v12+s2+$0x0], $0xffff  }
0x1bf: {  	vm1 =	vge.f32 v14, $0.0e+00;
	v13 =	vld.idx.msk [tilespmem:v13+s2+$0x0], $0xffff  }
0x1c0: {  	v3 =	vld.idx.msk [tilespmem:v3+s2+$0x0], $0xffff;
	v22 =	vadd.f32 v38, v22;
	v14 =	vsel vm1, v14, v21;
	v48 =	vmul.f32 $9.999999770e-03, v10  }
0x1c1: {  	v0 =	vadd.s32 $0x7530, v0;
	v1 =	vadd.s32 $0x11170, v1;
	v5 =	vld.idx.msk [tilespmem:v5+s2+$0x0], $0xffff;
	[tilespmem:s31+$0x100] =	vst v14;
	vm7 =	vge.f32 v10, $0.0e+00  }
0x1c2: {  	v44 =	vmul.f32 $9.999999770e-03, v22;
	v6 =	vld.idx.msk [tilespmem:v6+s2+$0x0], $0xffff;
	v10 =	vsel vm7, v10, v48;
	v16 =	vadd.f32 v43, v41  }
0x1c3: {  	v45 =	vadd.s32 $0x7530, v2;
	v47 =	vadd.s32 $0x11170, v4;
	vm5 =	vge.f32 v22, $0.0e+00;
	v8 =	vld.idx.msk [tilespmem:v8+s2+$0x0], $0xffff;
	[tilespmem:s20+$0x100] =	vst v10  }
0x1c4: {  	v7 =	vld.idx.msk [tilespmem:v7+s2+$0x0], $0xffff;
	v15 =	vsel vm5, v22, v44;
	v46 =	vmul.f32 $9.999999770e-03, v16;
	v12 =	vadd.f32 v13, v12  }
0x1c5: {  	v9 =	vld.idx.msk [tilespmem:v9+s2+$0x0], $0xffff;
	[tilespmem:s0+$0x100] =	vst v15;
	vm6 =	vge.f32 v16, $0.0e+00  }
0x1c6: {  	v0 =	vld.idx.msk [tilespmem:v0+s2+$0x0], $0xffff;
	v11 =	vsel vm6, v16, v46;
	v49 =	vmul.f32 $9.999999770e-03, v12  }
0x1c7: {  	v1 =	vld.idx.msk [tilespmem:v1+s2+$0x0], $0xffff;
	[tilespmem:s15+$0x100] =	vst v11;
	vm8 =	vge.f32 v12, $0.0e+00  }
0x1c8: {  	v2 =	vld.idx.msk [tilespmem:v45+s2+$0x0], $0xffff;
	v50 =	vsel vm8, v12, v49  }
0x1c9: {  	v3 =	vadd.f32 v5, v3;
	v4 =	vld.idx.msk [tilespmem:v47+s2+$0x0], $0xffff;
	[tilespmem:s17+$0x100] =	vst v50  }
0x1ca: {  	v52 =	vld.idx.msk [tilespmem:v17+s2+$0x0], $0xffff  }
0x1cb: {  	v54 =	vmul.f32 $9.999999770e-03, v3;
	v6 =	vadd.f32 v8, v6;
	v53 =	vld.idx.msk [tilespmem:v18+s2+$0x0], $0xffff  }
0x1cc: {  	v51 =	vmul.f32 $9.999999770e-03, v20;
	vm9 =	vge.f32 v20, $0.0e+00;
	vm10 =	vge.f32 v3, $0.0e+00  }
0x1cd: {  	v3 =	vsel vm10, v3, v54;
	v56 =	vmul.f32 $9.999999770e-03, v6;
	v7 =	vadd.f32 v9, v7  }
0x1ce: {  	vm12 =	vge.f32 v6, $0.0e+00;
	v10 =	vsel vm9, v20, v51;
	v0 =	vadd.f32 v1, v0  }
0x1cf: {  	[tilespmem:s30+$0x180] =	vst v3;
	v58 =	vsel vm12, v6, v56;
	v59 =	vmul.f32 $9.999999770e-03, v7;
	v2 =	vadd.f32 v4, v2  }
0x1d0: {  	[tilespmem:s1+$0x180] =	vst v10;
	vm14 =	vge.f32 v7, $0.0e+00;
	v55 =	vmul.f32 $9.999999770e-03, v0;
	v1 =	vadd.f32 v53, v52  }
0x1d1: {  	[tilespmem:s31+$0x180] =	vst v58;
	v62 =	vsel vm14, v7, v59;
	vm11 =	vge.f32 v0, $0.0e+00;
	v57 =	vmul.f32 $9.999999770e-03, v2  }
.Ltmp5:
0x1d2: {  	[tilespmem:s20+$0x180] =	vst v62;
	v0 =	vsel vm11, v0, v55;
	vm13 =	vge.f32 v2, $0.0e+00;
	v61 =	vmul.f32 $9.999999770e-03, v1;
	(pc) =	sbr.rel @p0 .LBB2_8-.Ltmp5, $4  }
0x1d3: {  	[tilespmem:s0+$0x180] =	vst v0;
	v60 =	vsel vm13, v2, v57;
	vm15 =	vge.f32 v1, $0.0e+00  }
0x1d4: {  	[tilespmem:s15+$0x180] =	vst v60;
	v63 =	vsel vm15, v1, v61  }
0x1d5: {  	s31 =	simm.s32 $0x16080;
	[tilespmem:s17+$0x180] =	vst v63  }
0x1d6: {  	[hbm4b:s14+s2] =	stream.linear.scatter [tilespmem:s31], [sflag:$0x4], $0x2800, $0x38;
	[tilespmem:$0x1B080] =	vst v63  }
0x1d7: {  	_ =	swait.ge [sflag:s24], $0xA00  }
0x1d8: {  	[sflag:s24] =	ssyncset.done $0x0  }
0x1d9: {  	[sflag:s24] =	ssyncadd.s32 $0xFFFFF600  }
0x1da: {  	_ =	swait.ge [sflag:s24], $0xA00  }
0x1db: {  	[sflag:s24] =	ssyncset.done $0x0  }
0x1dc: {  	s0 =	simm.s32 $0x0;
	s6 =	simm.s32 $0x5;
	[sflag:s24] =	ssyncadd.s32 $0xFFFFF600  }
0x1dd: {  	s1 =	sand.u32 $0xF80, s0;
	s3 =	sand.u32 $0x60, s0;
	_ =	swait.ge [sflag:s6], $0x2800  }
0x1de: {  	s4 =	sor.u32 $0x10, s3;
	s5 =	sadd.s32 $0x15680, s1;
	[sflag:s6] =	ssyncset.done $0x0  }
0x1df: {  	s1 =	sadd.s32 $0x14C80, s1;
	s18 =	sor.u32 s4, s5;
	[sflag:s6] =	ssyncadd.s32 $0xFFFFD800  }
0x1e0: {  	s7 =	sor.u32 s4, s1;
	v2 =	vld [tilespmem:s18+$0x0]  }
0x1e1: {  	v3 =	vld [tilespmem:s7+$0x0];
	_ =	sdelay $0x3  }
0x1e2: {  	v0 =	vadd.s32 $0x9C40, v2  }
0x1e3: {  	s5 =	sor.u32 s3, s5  }
0x1e4: {  	v4 =	vld [tilespmem:s5+$0x0];
	_ =	sdelay $0x1  }
0x1e5: {  	v1 =	vld.idx.msk [tilespmem:v3+s2+$0x0], $0xffff  }
0x1e6: {  	s1 =	sor.u32 s3, s1;
	v0 =	vld.idx.msk [tilespmem:v0+s2+$0x0], $0xffff  }
0x1e7: {  	v5 =	vld [tilespmem:s1+$0x0]  }
0x1e8: {  	s20 =	simm.s32 $0x20;
	v6 =	vadd.s32 $0x9C40, v4  }
0x1e9: {  	s21 =	sand.u32 $0xF80, s20;
	s15 =	sand.u32 $0x60, s20  }
0x1ea: {  	s1 =	sor.u32 $0x10, s15;
	s5 =	sadd.s32 $0x14C80, s21  }
0x1eb: {  	s17 =	sor.u32 s1, s5;
	v0 =	vadd.f32 v0, v1  }
0x1ec: {  	s23 =	sadd.s32 $0x15680, s21;
	v7 =	vld [tilespmem:s17+$0x0];
	v9 =	vadd.s32 $0x2710, v3  }
0x1ed: {  	s0 =	sand.u32 $0x3E00, s0;
	s25 =	sor.u32 s1, s23;
	v11 =	vadd.s32 $0xC350, v2;
	v1 =	vld.idx.msk [tilespmem:v6+s2+$0x0], $0xffff;
	v8 =	vmul.f32 $9.999999770e-03, v0  }
0x1ee: {  	s0 =	sadd.s32 $0x18880, s0;
	v6 =	vld [tilespmem:s25+$0x0];
	vm0 =	vge.f32 v0, $0.0e+00  }
0x1ef: {  	s28 =	sor.u32 s4, s0;
	s6 =	sor.u32 s15, s23;
	v10 =	vld.idx.msk [tilespmem:v5+s2+$0x0], $0xffff;
	v0 =	vsel vm0, v0, v8  }
0x1f0: {  	v8 =	vld [tilespmem:s6+$0x0];
	[tilespmem:s28+$0x0] =	vst v0  }
0x1f1: {  	v0 =	vld.idx.msk [tilespmem:v9+s2+$0x0], $0xffff  }
0x1f2: {  	s7 =	sor.u32 s15, s5;
	v11 =	vld.idx.msk [tilespmem:v11+s2+$0x0], $0xffff  }
0x1f3: {  	v12 =	vadd.s32 $0x9C40, v6;
	v9 =	vld [tilespmem:s7+$0x0];
	_ =	sdelay $0x1  }
0x1f4: {  	v13 =	vadd.s32 $0x9C40, v8  }
0x1f5: {  	v1 =	vadd.f32 v1, v10  }
0x1f6: {  	v14 =	vld.idx.msk [tilespmem:v7+s2+$0x0], $0xffff;
	v10 =	vadd.s32 $0x2710, v5  }
0x1f7: {  	v15 =	vadd.s32 $0xC350, v4;
	v16 =	vmul.f32 $9.999999770e-03, v1;
	v0 =	vadd.f32 v11, v0;
	v11 =	vld.idx.msk [tilespmem:v12+s2+$0x0], $0xffff  }
0x1f8: {  	vm0 =	vge.f32 v1, $0.0e+00;
	v12 =	vadd.s32 $0x4E20, v3  }
0x1f9: {  	s30 =	sor.u32 s3, s0;
	v17 =	vadd.s32 $0xEA60, v2;
	v1 =	vsel vm0, v1, v16;
	v16 =	vmul.f32 $9.999999770e-03, v0;
	v13 =	vld.idx.msk [tilespmem:v13+s2+$0x0], $0xffff  }
0x1fa: {  	[tilespmem:s30+$0x0] =	vst v1;
	vm0 =	vge.f32 v0, $0.0e+00;
	v1 =	vld.idx.msk [tilespmem:v9+s2+$0x0], $0xffff  }
0x1fb: {  	s17 =	simm.s32 $0x40;
	v10 =	vld.idx.msk [tilespmem:v10+s2+$0x0], $0xffff;
	v0 =	vsel vm0, v0, v16  }
0x1fc: {  	s18 =	sand.u32 $0xF80, s17;
	s17 =	sand.u32 $0x60, s17;
	v15 =	vld.idx.msk [tilespmem:v15+s2+$0x0], $0xffff;
	[tilespmem:s28+$0x80] =	vst v0;
	v11 =	vadd.f32 v11, v14  }
0x1fd: {  	s21 =	simm.s32 $0x80;
	s20 =	sadd.s32 $0x14C80, s18;
	s0 =	sor.u32 $0x10, s17;
	v14 =	vadd.s32 $0x2710, v7;
	v12 =	vld.idx.msk [tilespmem:v12+s2+$0x0], $0xffff  }
0x1fe: {  	s5 =	sand.u32 $0x3E00, s21;
	s3 =	sadd.s32 $0x15680, s18;
	s23 =	sor.u32 s0, s20;
	v18 =	vadd.s32 $0xC350, v6;
	v16 =	vld.idx.msk [tilespmem:v17+s2+$0x0], $0xffff;
	v17 =	vmul.f32 $9.999999770e-03, v11  }
0x1ff: {  	s5 =	sadd.s32 $0x18880, s5;
	s25 =	sor.u32 s0, s3;
	v0 =	vld [tilespmem:s23+$0x0];
	vm0 =	vge.f32 v11, $0.0e+00;
	v13 =	vadd.f32 v13, v1  }
0x200: {  	s1 =	sor.u32 s1, s5;
	s3 =	sor.u32 s17, s3;
	v19 =	vadd.s32 $0x2710, v9;
	v1 =	vld [tilespmem:s25+$0x0];
	v11 =	vsel vm0, v11, v17  }
0x201: {  	v10 =	vadd.f32 v15, v10;
	v15 =	vld [tilespmem:s3+$0x0];
	v17 =	vadd.s32 $0xC350, v8;
	v20 =	vmul.f32 $9.999999770e-03, v13;
	[tilespmem:s1+$0x0] =	vst v11  }
0x202: {  	v11 =	vadd.s32 $0x4E20, v5;
	vm0 =	vge.f32 v13, $0.0e+00;
	v14 =	vld.idx.msk [tilespmem:v14+s2+$0x0], $0xffff  }
0x203: {  	s31 =	sor.u32 s15, s5;
	s4 =	sor.u32 s17, s20;
	v21 =	vmul.f32 $9.999999770e-03, v10;
	v12 =	vadd.f32 v16, v12;
	v16 =	vld.idx.msk [tilespmem:v18+s2+$0x0], $0xffff;
	v13 =	vsel vm0, v13, v20  }
0x204: {  	v3 =	vadd.s32 $0x7530, v3;
	v18 =	vld [tilespmem:s4+$0x0];
	vm0 =	vge.f32 v10, $0.0e+00;
	[tilespmem:s31+$0x0] =	vst v13  }
0x205: {  	v10 =	vsel vm0, v10, v21;
	v13 =	vmul.f32 $9.999999770e-03, v12;
	v20 =	vadd.s32 $0x9C40, v1;
	v19 =	vld.idx.msk [tilespmem:v19+s2+$0x0], $0xffff  }
0x206: {  	v2 =	vadd.s32 $0x11170, v2;
	vm0 =	vge.f32 v12, $0.0e+00;
	[tilespmem:s30+$0x80] =	vst v10;
	v10 =	vld.idx.msk [tilespmem:v17+s2+$0x0], $0xffff  }
0x207: {  	v17 =	vld.idx.msk [tilespmem:v11+s2+$0x0], $0xffff;
	v12 =	vsel vm0, v12, v13  }
0x208: {  	v11 =	vadd.s32 $0x9C40, v15;
	v13 =	vld.idx.msk [tilespmem:v0+s2+$0x0], $0xffff;
	[tilespmem:s28+$0x100] =	vst v12  }
0x209: {  	v12 =	vadd.s32 $0xEA60, v4;
	v21 =	vld.idx.msk [tilespmem:v3+s2+$0x0], $0xffff;
	v3 =	vadd.f32 v16, v14  }
0x20a: {  	v16 =	vadd.s32 $0x4E20, v7;
	v14 =	vld.idx.msk [tilespmem:v20+s2+$0x0], $0xffff  }
0x20b: {  	v22 =	vadd.s32 $0xEA60, v6;
	v20 =	vld.idx.msk [tilespmem:v2+s2+$0x0], $0xffff;
	v2 =	vmul.f32 $9.999999770e-03, v3  }
0x20c: {  	vm0 =	vge.f32 v3, $0.0e+00;
	v23 =	vld.idx.msk [tilespmem:v18+s2+$0x0], $0xffff  }
0x20d: {  	s5 =	simm.s32 $0x60;
	v10 =	vadd.f32 v10, v19;
	v11 =	vld.idx.msk [tilespmem:v11+s2+$0x0], $0xffff;
	v2 =	vsel vm0, v3, v2  }
0x20e: {  	s21 =	sand.u32 $0x60, s5;
	s6 =	sand.u32 $0xF80, s5;
	v19 =	vadd.s32 $0x4E20, v9;
	v12 =	vld.idx.msk [tilespmem:v12+s2+$0x0], $0xffff;
	[tilespmem:s1+$0x80] =	vst v2  }
0x20f: {  	s7 =	sadd.s32 $0x14C80, s6;
	s25 =	sor.u32 $0x10, s21;
	v3 =	vmul.f32 $9.999999770e-03, v10;
	v16 =	vld.idx.msk [tilespmem:v16+s2+$0x0], $0xffff;
	v13 =	vadd.f32 v14, v13  }
0x210: {  	s15 =	simm.s32 $0x100;
	s18 =	sor.u32 s25, s7;
	s4 =	sadd.s32 $0x15680, s6;
	vm0 =	vge.f32 v10, $0.0e+00;
	v14 =	vld.idx.msk [tilespmem:v22+s2+$0x0], $0xffff;
	v22 =	vadd.s32 $0x2710, v0  }
0x211: {  	s20 =	sand.u32 $0x3E00, s15;
	s23 =	sor.u32 s25, s4;
	v25 =	vadd.s32 $0xC350, v1;
	v2 =	vsel vm0, v10, v3;
	v3 =	vld [tilespmem:s18+$0x0];
	v24 =	vmul.f32 $9.999999770e-03, v13  }
0x212: {  	s6 =	sadd.s32 $0x18880, s20;
	[tilespmem:s31+$0x80] =	vst v2;
	v2 =	vld [tilespmem:s23+$0x0];
	v11 =	vadd.f32 v11, v23;
	vm0 =	vge.f32 v13, $0.0e+00  }
0x213: {  	v28 =	vadd.s32 $0x7530, v5;
	s4 =	sor.u32 s21, s4;
	s0 =	sor.u32 s0, s6;
	v10 =	vld.idx.msk [tilespmem:v19+s2+$0x0], $0xffff;
	v13 =	vsel vm0, v13, v24  }
0x214: {  	v27 =	vadd.s32 $0x11170, v6;
	v19 =	vadd.s32 $0x2710, v18;
	v24 =	vld [tilespmem:s4+$0x0];
	v26 =	vmul.f32 $9.999999770e-03, v11;
	[tilespmem:s0+$0x0] =	vst v13  }
0x215: {  	v23 =	vadd.s32 $0xC350, v15;
	vm0 =	vge.f32 v11, $0.0e+00;
	v14 =	vadd.f32 v14, v16;
	v13 =	vld.idx.msk [tilespmem:v22+s2+$0x0], $0xffff  }
0x216: {  	v5 =	vadd.s32 $0x11170, v8;
	v11 =	vsel vm0, v11, v26;
	v25 =	vld.idx.msk [tilespmem:v25+s2+$0x0], $0xffff;
	v26 =	vadd.s32 $0x7530, v7  }
0x217: {  	s3 =	sor.u32 s21, s7;
	v6 =	vadd.s32 $0x11170, v15;
	s20 =	sor.u32 s17, s6;
	v16 =	vadd.s32 $0xEA60, v8;
	v8 =	vmul.f32 $9.999999770e-03, v14  }
0x218: {  	v29 =	vld [tilespmem:s3+$0x0];
	v20 =	vadd.f32 v20, v21;
	v7 =	vadd.s32 $0x7530, v9;
	[tilespmem:s20+$0x0] =	vst v11;
	vm0 =	vge.f32 v14, $0.0e+00  }
0x219: {  	v9 =	vadd.s32 $0x9C40, v2;
	v11 =	vadd.s32 $0xEA60, v15;
	v19 =	vld.idx.msk [tilespmem:v19+s2+$0x0], $0xffff;
	v8 =	vsel vm0, v14, v8  }
0x21a: {  	v15 =	vmul.f32 $9.999999770e-03, v20;
	v30 =	vld.idx.msk [tilespmem:v23+s2+$0x0], $0xffff;
	v21 =	vadd.s32 $0x9C40, v24;
	v14 =	vadd.f32 v12, v17;
	[tilespmem:s1+$0x100] =	vst v8  }
0x21b: {  	v12 =	vadd.s32 $0x4E20, v18;
	v8 =	vadd.s32 $0x7530, v18;
	v18 =	vld.idx.msk [tilespmem:v26+s2+$0x0], $0xffff;
	v26 =	vadd.f32 v25, v13  }
0x21c: {  	v33 =	vadd.s32 $0x4E20, v0;
	v22 =	vld.idx.msk [tilespmem:v3+s2+$0x0], $0xffff;
	vm0 =	vge.f32 v20, $0.0e+00;
	v17 =	vmul.f32 $9.999999770e-03, v14  }
0x21d: {  	v32 =	vsel vm0, v20, v15;
	v31 =	vld.idx.msk [tilespmem:v27+s2+$0x0], $0xffff;
	vm0 =	vge.f32 v14, $0.0e+00;
	v20 =	vmul.f32 $9.999999770e-03, v26  }
0x21e: {  	v4 =	vadd.s32 $0x11170, v4;
	v27 =	vld.idx.msk [tilespmem:v9+s2+$0x0], $0xffff;
	v9 =	vsel vm0, v14, v17;
	vm0 =	vge.f32 v26, $0.0e+00  }
0x21f: {  	v15 =	vadd.s32 $0x11170, v24;
	v23 =	vld.idx.msk [tilespmem:v21+s2+$0x0], $0xffff;
	v21 =	vsel vm0, v26, v20;
	v26 =	vadd.s32 $0xEA60, v1  }
0x220: {  	v13 =	vadd.s32 $0xEA60, v24;
	v14 =	vadd.s32 $0xC350, v24;
	v24 =	vld.idx.msk [tilespmem:v29+s2+$0x0], $0xffff;
	v25 =	vadd.f32 v30, v19  }
0x221: {  	[tilespmem:s30+$0x100] =	vst v9;
	v20 =	vld.idx.msk [tilespmem:v16+s2+$0x0], $0xffff  }
0x222: {  	v17 =	vadd.s32 $0x2710, v29;
	v19 =	vadd.s32 $0x4E20, v29;
	v16 =	vld.idx.msk [tilespmem:v28+s2+$0x0], $0xffff;
	v28 =	vmul.f32 $9.999999770e-03, v25;
	[tilespmem:s0+$0x80] =	vst v21  }
0x223: {  	s17 =	simm.s32 $0x6;
	[tilespmem:s28+$0x180] =	vst v32;
	s28 =	simm.s32 $0x80;
	v9 =	vadd.s32 $0x7530, v29;
	vm0 =	vge.f32 v25, $0.0e+00;
	v18 =	vadd.f32 v31, v18;
	v21 =	vld.idx.msk [tilespmem:v33+s2+$0x0], $0xffff  }
.LBB2_10:
0x224: {  	s3 =	sand.u32 $0xF80, s28;
	s4 =	sand.u32 $0x60, s28;
	v22 =	vadd.f32 v27, v22;
	v25 =	vsel vm0, v25, v28;
	v26 =	vld.idx.msk [tilespmem:v26+s2+$0x0], $0xffff  }
0x225: {  	v27 =	vadd.s32 $0x2710, v3;
	s15 =	sadd.s32 $0x80, s15;
	s5 =	sadd.s32 $0x14C80, s3;
	s6 =	sor.u32 $0x10, s4;
	[tilespmem:s20+$0x80] =	vst v25;
	v25 =	vmul.f32 $9.999999770e-03, v18;
	v28 =	vld.idx.msk [tilespmem:v4+s2+$0x0], $0xffff;
	v4 =	vmovc v5;
	v5 =	vmovc v6;
	v6 =	vmov v15  }
0x226: {  	v29 =	vadd.s32 $0xC350, v2;
	s3 =	sadd.s32 $0x15680, s3;
	s18 =	sand.u32 $0x3E00, s15;
	vm0 =	vge.f32 v18, $0.0e+00;
	s7 =	sor.u32 s6, s5;
	v15 =	vmul.f32 $9.999999770e-03, v22;
	v30 =	vld.idx.msk [tilespmem:v12+s2+$0x0], $0xffff;
	v12 =	vmovc v19  }
0x227: {  	v23 =	vadd.f32 v23, v24;
	s23 =	sor.u32 s4, s3;
	s3 =	sor.u32 s6, s3;
	vm1 =	vge.f32 v22, $0.0e+00;
	v19 =	vld [tilespmem:s7+$0x0];
	s7 =	sadd.s32 $0x18880, s18;
	v18 =	vsel vm0, v18, v25  }
0x228: {  	s17 =	sadd.s32 $0x2, s17;
	s5 =	sor.u32 s4, s5;
	v10 =	vadd.f32 v20, v10;
	v24 =	vld [tilespmem:s3+$0x0];
	v15 =	vsel vm1, v22, v15;
	s3 =	sor.u32 s25, s7;
	[tilespmem:s1+$0x180] =	vst v18  }
0x229: {  	p1 =	slt.u32 s17, $0x9E;
	vm0 =	vge.f32 v23, $0.0e+00;
	v20 =	vmul.f32 $9.999999770e-03, v23;
	s7 =	sor.u32 s21, s7;
	s21 =	smov.u32 s4;
	v18 =	vld [tilespmem:s23+$0x0];
	[tilespmem:s3+$0x0] =	vst v15  }
0x22a: {  	vm1 =	vge.f32 v10, $0.0e+00;
	s25 =	smov.u32 s6;
	s1 =	smov.u32 s0;
	v15 =	vadd.f32 v26, v21;
	v21 =	vmul.f32 $9.999999770e-03, v10;
	s0 =	smov.u32 s3;
	v25 =	vld.idx.msk [tilespmem:v27+s2+$0x0], $0xffff  }
0x22b: {  	v20 =	vsel vm0, v23, v20;
	v26 =	vadd.s32 $0x7530, v0;
	v0 =	vmovc v3;
	v16 =	vadd.f32 v28, v16;
	v23 =	vld.idx.msk [tilespmem:v29+s2+$0x0], $0xffff  }
0x22c: {  	v27 =	vadd.s32 $0x11170, v1;
	v22 =	vsel vm1, v10, v21;
	v10 =	vmovc v30;
	v28 =	vld [tilespmem:s5+$0x0];
	[tilespmem:s7+$0x0] =	vst v20;
	v20 =	vmul.f32 $9.999999770e-03, v15;
	v3 =	vmovc v19  }
0x22d: {  	v1 =	vmovc v2;
	vm0 =	vge.f32 v15, $0.0e+00;
	v21 =	vadd.s32 $0x9C40, v24;
	v29 =	vld.idx.msk [tilespmem:v17+s2+$0x0], $0xffff;
	[tilespmem:s31+$0x100] =	vst v22;
	v17 =	vmul.f32 $9.999999770e-03, v16;
	v2 =	vmovc v24  }
0x22e: {  	v24 =	vadd.s32 $0x9C40, v18;
	v30 =	vld.idx.msk [tilespmem:v14+s2+$0x0], $0xffff;
	v14 =	vadd.s32 $0xC350, v18;
	v20 =	vsel vm0, v15, v20  }
0x22f: {  	v31 =	vadd.s32 $0xEA60, v18;
	v15 =	vadd.s32 $0x11170, v18;
	vm0 =	vge.f32 v16, $0.0e+00;
	v22 =	vld.idx.msk [tilespmem:v19+s2+$0x0], $0xffff;
	[tilespmem:s1+$0x100] =	vst v20  }
0x230: {  	v16 =	vsel vm0, v16, v17;
	v18 =	vld.idx.msk [tilespmem:v26+s2+$0x0], $0xffff  }
0x231: {  	v20 =	vadd.f32 v23, v25;
	v17 =	vadd.s32 $0x2710, v28;
	v19 =	vadd.s32 $0x4E20, v28;
	v32 =	vld.idx.msk [tilespmem:v27+s2+$0x0], $0xffff;
	[tilespmem:s30+$0x180] =	vst v16;
	s30 =	smov.u32 s31;
	s31 =	smov.u32 s20;
	s20 =	smov.u32 s7  }
0x232: {  	v33 =	vadd.s32 $0x7530, v28;
	v27 =	vld.idx.msk [tilespmem:v21+s2+$0x0], $0xffff;
	v21 =	vadd.s32 $0x4E20, v0  }
.Ltmp6:
0x233: {  	v26 =	vadd.s32 $0xEA60, v1;
	v16 =	vmul.f32 $9.999999770e-03, v20;
	v23 =	vld.idx.msk [tilespmem:v24+s2+$0x0], $0xffff;
	(pc) =	sbr.rel @p1 .LBB2_10-.Ltmp6, $4  }
0x234: {  	vm0 =	vge.f32 v20, $0.0e+00;
	v25 =	vadd.f32 v30, v29;
	v24 =	vld.idx.msk [tilespmem:v28+s2+$0x0], $0xffff  }
0x235: {  	v16 =	vsel vm0, v20, v16;
	v20 =	vld.idx.msk [tilespmem:v11+s2+$0x0], $0xffff;
	v11 =	vmov v13;
	v13 =	vmov v31  }
0x236: {  	vm0 =	vge.f32 v25, $0.0e+00;
	v28 =	vmul.f32 $9.999999770e-03, v25;
	[tilespmem:s0+$0x80] =	vst v16;
	v16 =	vld.idx.msk [tilespmem:v7+s2+$0x0], $0xffff;
	v7 =	vmovc v8;
	v8 =	vmovc v9;
	v9 =	vmov v33  }
0x237: {  	s28 =	sadd.s32 $0x20, s28;
	v18 =	vadd.f32 v32, v18;
	v21 =	vld.idx.msk [tilespmem:v21+s2+$0x0], $0xffff  }
0x238: {  	v22 =	vadd.f32 v27, v22  }
0x239: {  	v34 =	vadd.s32 $0x2710, v3;
	s3 =	sadd.s32 $0x80, s15  }
0x23a: {  	v30 =	vadd.s32 $0xC350, v2;
	s3 =	sand.u32 $0x3E00, s3;
	v23 =	vadd.f32 v23, v24;
	v29 =	vmul.f32 $9.999999770e-03, v22  }
0x23b: {  	s3 =	sadd.s32 $0x18880, s3;
	vm1 =	vge.f32 v22, $0.0e+00  }
0x23c: {  	s28 =	sor.u32 s25, s3;
	v35 =	vmul.f32 $9.999999770e-03, v23;
	v22 =	vsel vm1, v22, v29  }
0x23d: {  	vm13 =	vge.f32 v23, $0.0e+00;
	[tilespmem:s28+$0x0] =	vst v22  }
0x23e: {  	s17 =	sor.u32 s21, s3;
	v22 =	vsel vm13, v23, v35;
	v36 =	vld.idx.msk [tilespmem:v34+s2+$0x0], $0xffff  }
0x23f: {  	v37 =	vld.idx.msk [tilespmem:v30+s2+$0x0], $0xffff;
	[tilespmem:s17+$0x0] =	vst v22  }
0x240: {  	v17 =	vld.idx.msk [tilespmem:v17+s2+$0x0], $0xffff  }
0x241: {  	v14 =	vld.idx.msk [tilespmem:v14+s2+$0x0], $0xffff;
	_ =	sdelay $0x2  }
0x242: {  	v42 =	vsel vm0, v25, v28;
	v38 =	vadd.f32 v37, v36  }
0x243: {  	v39 =	vadd.s32 $0x4E20, v3;
	[tilespmem:s20+$0x80] =	vst v42  }
0x244: {  	v40 =	vadd.s32 $0xEA60, v2;
	v12 =	vld.idx.msk [tilespmem:v12+s2+$0x0], $0xffff;
	v14 =	vadd.f32 v14, v17;
	v24 =	vmul.f32 $9.999999770e-03, v38  }
0x245: {  	v11 =	vld.idx.msk [tilespmem:v11+s2+$0x0], $0xffff;
	vm14 =	vge.f32 v38, $0.0e+00  }
0x246: {  	v43 =	vmul.f32 $9.999999770e-03, v14;
	v41 =	vsel vm14, v38, v24  }
0x247: {  	v26 =	vld.idx.msk [tilespmem:v26+s2+$0x0], $0xffff;
	vm15 =	vge.f32 v14, $0.0e+00;
	[tilespmem:s28+$0x80] =	vst v41  }
0x248: {  	v10 =	vadd.f32 v20, v10;
	v14 =	vsel vm15, v14, v43;
	v23 =	vld.idx.msk [tilespmem:v39+s2+$0x0], $0xffff  }
0x249: {  	v44 =	vld.idx.msk [tilespmem:v40+s2+$0x0], $0xffff;
	[tilespmem:s17+$0x80] =	vst v14  }
0x24a: {  	v20 =	vmul.f32 $9.999999770e-03, v10;
	v11 =	vadd.f32 v11, v12;
	v19 =	vld.idx.msk [tilespmem:v19+s2+$0x0], $0xffff  }
0x24b: {  	vm5 =	vge.f32 v10, $0.0e+00;
	v13 =	vld.idx.msk [tilespmem:v13+s2+$0x0], $0xffff  }
0x24c: {  	v21 =	vadd.f32 v26, v21;
	v10 =	vsel vm5, v10, v20;
	v49 =	vmul.f32 $9.999999770e-03, v11  }
0x24d: {  	v0 =	vadd.s32 $0x7530, v0;
	v1 =	vadd.s32 $0x11170, v1;
	v4 =	vld.idx.msk [tilespmem:v4+s2+$0x0], $0xffff;
	[tilespmem:s31+$0x100] =	vst v10;
	vm7 =	vge.f32 v11, $0.0e+00  }
0x24e: {  	v45 =	vmul.f32 $9.999999770e-03, v21;
	v7 =	vld.idx.msk [tilespmem:v7+s2+$0x0], $0xffff;
	v10 =	vsel vm7, v11, v49;
	v17 =	vadd.f32 v44, v23  }
0x24f: {  	v46 =	vadd.s32 $0x7530, v3;
	v48 =	vadd.s32 $0x11170, v2;
	vm4 =	vge.f32 v21, $0.0e+00;
	v5 =	vld.idx.msk [tilespmem:v5+s2+$0x0], $0xffff;
	[tilespmem:s20+$0x100] =	vst v10  }
0x250: {  	v8 =	vld.idx.msk [tilespmem:v8+s2+$0x0], $0xffff;
	v14 =	vsel vm4, v21, v45;
	v13 =	vadd.f32 v13, v19;
	v47 =	vmul.f32 $9.999999770e-03, v17  }
0x251: {  	v6 =	vld.idx.msk [tilespmem:v6+s2+$0x0], $0xffff;
	[tilespmem:s0+$0x100] =	vst v14;
	vm6 =	vge.f32 v17, $0.0e+00  }
0x252: {  	v0 =	vld.idx.msk [tilespmem:v0+s2+$0x0], $0xffff;
	v50 =	vmul.f32 $9.999999770e-03, v13;
	v12 =	vsel vm6, v17, v47  }
0x253: {  	v1 =	vld.idx.msk [tilespmem:v1+s2+$0x0], $0xffff;
	vm8 =	vge.f32 v13, $0.0e+00;
	[tilespmem:s28+$0x100] =	vst v12  }
0x254: {  	v51 =	vsel vm8, v13, v50;
	v3 =	vld.idx.msk [tilespmem:v46+s2+$0x0], $0xffff  }
0x255: {  	v4 =	vadd.f32 v4, v16;
	v2 =	vld.idx.msk [tilespmem:v48+s2+$0x0], $0xffff;
	[tilespmem:s17+$0x100] =	vst v51  }
0x256: {  	v9 =	vld.idx.msk [tilespmem:v9+s2+$0x0], $0xffff  }
0x257: {  	v54 =	vmul.f32 $9.999999770e-03, v4;
	v5 =	vadd.f32 v5, v7;
	v53 =	vld.idx.msk [tilespmem:v15+s2+$0x0], $0xffff  }
0x258: {  	v52 =	vmul.f32 $9.999999770e-03, v18;
	vm9 =	vge.f32 v18, $0.0e+00;
	vm10 =	vge.f32 v4, $0.0e+00  }
0x259: {  	v4 =	vsel vm10, v4, v54;
	v56 =	vmul.f32 $9.999999770e-03, v5;
	v6 =	vadd.f32 v6, v8  }
0x25a: {  	v10 =	vsel vm9, v18, v52;
	vm12 =	vge.f32 v5, $0.0e+00;
	v0 =	vadd.f32 v1, v0  }
0x25b: {  	[tilespmem:s30+$0x180] =	vst v4;
	v58 =	vsel vm12, v5, v56;
	v59 =	vmul.f32 $9.999999770e-03, v6;
	v2 =	vadd.f32 v2, v3  }
0x25c: {  	[tilespmem:s1+$0x180] =	vst v10;
	vm14 =	vge.f32 v6, $0.0e+00;
	v55 =	vmul.f32 $9.999999770e-03, v0;
	v1 =	vadd.f32 v53, v9  }
0x25d: {  	[tilespmem:s31+$0x180] =	vst v58;
	v62 =	vsel vm14, v6, v59;
	vm11 =	vge.f32 v0, $0.0e+00;
	v57 =	vmul.f32 $9.999999770e-03, v2  }
0x25e: {  	[tilespmem:s20+$0x180] =	vst v62;
	v0 =	vsel vm11, v0, v55;
	vm13 =	vge.f32 v2, $0.0e+00;
	v61 =	vmul.f32 $9.999999770e-03, v1  }
0x25f: {  	[tilespmem:s0+$0x180] =	vst v0;
	vm15 =	vge.f32 v1, $0.0e+00;
	v60 =	vsel vm13, v2, v57  }
.Ltmp7:
0x260: {  	[tilespmem:s28+$0x180] =	vst v60;
	v63 =	vsel vm15, v1, v61;
	(pc) =	sbr.rel .LBB2_12-.Ltmp7, $4  }
0x261: {  	[tilespmem:s17+$0x180] =	vst v63  }
0x262: {  	s31 =	simm.s32 $0x18880;
	s0 =	rddreg [dreg:$0x8]  }
0x263: {  	[hbm4b:s0+s2] =	stream.linear.scatter [tilespmem:s31], [sflag:$0x5], $0x2800, $0x38;
	[tilespmem:$0x1B080] =	vst v63  }
0x264: {  	s7 =	simm.s32 $0x13880;
	s1 =	simm.s32 $0x4;
	s0 =	simm.s32 $0x5  }
.LBB2_13:
0x265: {  	_ =	sfence.sel $0x180000  }
0x266: {  	[bflag:$0x0] =	sbarrier.arrive $0xFFFF  }
0x267: {  	_ =	strace $0x90000047  }
0x268: {  	s0 =	stileid.u32;
	[bflag:$0x2] =	sbarrier.arrive $0xFFFF  }
0x269: {  	p0 =	sne.s32 s0, $0x0;
	s0 =	rddreg [dreg:$0x2]  }
0x26a: {  	s0 =	sadd.s32 @!p0 $0x100000, s0  }
0x26b: {  	[sflag:s0] =	ssyncadd.tile.s32 @!p0 $0x1;
	_ =	shalt  }
.Lfunc_end2:
_tile_overlayer_lowered:
.L_overlay_start_2:
0x26c: {  	(tag) =	ssettag $0x2  }
0x26d: {  	s0 =	rddreg [dreg:$0x0];
	s2 =	stileid.u32  }
0x26e: {  	s1 =	rddreg [dreg:$0x1];
	p0 =	sne.s32 s2, $0x0  }
0x26f: {  	s3 =	rddreg [dreg:$0x2];
	[bflag:$0x3] =	sbarrier.arrive $0xFFFF;
	s2 =	simm.s32 @!p0 $0x1C06  }
0x270: {  	[timem:s3], [sflag:s2] =	dma.local @!p0 [hbm:s0], s1  }
0x271: {  	s0 =	simm.s32 @!p0 $0x6  }
0x272: {  	_ =	swait.ge @!p0 [sflag:s0], s1  }
0x273: {  	s1 =	ssub.s32 @!p0 $0x0, s1;
	[sflag:s0] =	ssyncset.done @!p0 $0x0  }
0x274: {  	[sflag:s0] =	ssyncadd.s32 @!p0 s1  }
0x275: {  	[bflag:$0x3] =	sbarrier.arrive $0xFFFF  }
0x276: {  	_ =	shalt  }

</sc_bundles>
